<compile_context>
chip_gen: v7x
topology: tpu7x:2x2x1
jax: 0.10.2.dev20260603
libtpu: 0.0.44.dev20260713+nightly
codegen_flags: <defaults>
</compile_context>

<pallas_src>
import functools

import jax
import jax.numpy as jnp
import numpy as np
from jax import lax
from jax.experimental import pallas as pl
from jax.experimental.pallas import tpu as pltpu
from jax.experimental.pallas import tpu_sc as plsc

N_LEVELS = 6
N_LABELS = 2048
BATCH = 1024
ROW = 2048
ROW_W = ROW // 8

NC = 2
NS = 16
NW = NC * NS
B_PER_W = BATCH // NW
ROWS_PER_W = B_PER_W * N_LEVELS
CHUNK = 16
NCHUNK = ROWS_PER_W // CHUNK
NBUF = 3

_PACK = np.zeros((ROW, ROW_W), np.int8)
for _c in range(ROW):
    _PACK[_c, _c % ROW_W] = np.int8(np.uint8(1 << (_c // ROW_W)))


def _body(leaf_hbm, adv_hbm, out_hbm, leaf_v, gidx_v,
          rows0, rows1, rows2, gsem0, gsem1, gsem2):
    wid = lax.axis_index("s") * NC + lax.axis_index("c")
    b0 = wid * B_PER_W
    pltpu.sync_copy(leaf_hbm.at[pl.ds(b0, B_PER_W)], leaf_v)

    leaf_half = (leaf_v[pl.ds(0, 16)], leaf_v[pl.ds(16, 16)])
    rows_bufs = (rows0, rows1, rows2)
    gsems = (gsem0, gsem1, gsem2)

    for c in range(NCHUNK):
        gidx_v[c, pl.ds(0, 16)] = leaf_half[c % 2] + (c // 2) * N_LABELS

    copies = [None] * NBUF
    for c in range(NCHUNK + NBUF):
        s = c % NBUF
        if c >= NBUF:
            d = c - NBUF
            copies[s].wait()
            out_base = (d // 2) * BATCH + b0 + (d % 2) * CHUNK
            pltpu.sync_copy(rows_bufs[s], out_hbm.at[pl.ds(out_base, CHUNK)])
        if c < NCHUNK:
            copies[s] = pltpu.async_copy(
                adv_hbm.at[gidx_v.at[c]], rows_bufs[s], gsems[s]
            )


@jax.jit
def _sc_gather(leaf, adv_packed):
    mesh = plsc.VectorSubcoreMesh(core_axis_name="c", subcore_axis_name="s")
    f = functools.partial(
        pl.kernel,
        mesh=mesh,
        out_type=jax.ShapeDtypeStruct((N_LEVELS * BATCH, ROW_W), jnp.int32),
        scratch_types=[
            pltpu.VMEM((B_PER_W,), jnp.int32),
            pltpu.VMEM((NCHUNK, CHUNK), jnp.int32),
            pltpu.VMEM((CHUNK, ROW_W), jnp.int32),
            pltpu.VMEM((CHUNK, ROW_W), jnp.int32),
            pltpu.VMEM((CHUNK, ROW_W), jnp.int32),
            pltpu.SemaphoreType.DMA,
            pltpu.SemaphoreType.DMA,
            pltpu.SemaphoreType.DMA,
        ],
    )(_body)
    return f(leaf, adv_packed)


UNPACK_BLK = 2048


def _unpack_body(g_ref, out_ref):
    x = g_ref[...]
    for k in range(8):
        out_ref[:, pl.ds(k * ROW_W, ROW_W)] = ((x >> k) & 1).astype(jnp.int8)


@jax.jit
def _tc_unpack(g):
    return pl.pallas_call(
        _unpack_body,
        grid=(N_LEVELS * BATCH // UNPACK_BLK,),
        in_specs=[pl.BlockSpec((UNPACK_BLK, ROW_W), lambda i: (i, 0))],
        out_specs=pl.BlockSpec((UNPACK_BLK, ROW), lambda i: (i, 0)),
        out_shape=jax.ShapeDtypeStruct((N_LEVELS * BATCH, ROW), jnp.int8),
    )(g)


def kernel(labels, adversaries):
    leaf = labels[:, N_LEVELS - 1]
    a16 = adversaries.astype(jnp.bfloat16).reshape(N_LEVELS * N_LABELS, ROW)
    packed_f = lax.dot_general(
        a16, jnp.asarray(_PACK).astype(jnp.bfloat16), (((1,), (0,)), ((), ())),
        preferred_element_type=jnp.float32,
    )
    packed = packed_f.astype(jnp.int32)
    g = _sc_gather(leaf, packed)
    out = (_tc_unpack(g) != 0).reshape(N_LEVELS, BATCH, ROW)
    return out.transpose(1, 0, 2)

# --- scband reference (transcript-rebuilt; emitter-appended) ---
"""Pipeline reference for scband-hierachical-label-masking-54640573940023 (READ-ONLY COPY).

The authoritative reference and input builder live on the scoring server;
editing this copy changes nothing except your own understanding.
"""

import jax, jax.numpy as jnp
import numpy as np

MIN_DEPTH = 0
MAX_DEPTH = 5
N_LABELS = 2048
BATCH = 1024
N_LEVELS = MAX_DEPTH - MIN_DEPTH + 1


def setup_inputs(seed: int = 0) -> dict:
    key = jax.random.key(seed)
    k1, k2 = jax.random.split(key)
    labels = jax.random.randint(k1, (BATCH, N_LEVELS), 0, N_LABELS, dtype=jnp.int32)
    # adversaries: bool mask table of shape [max_depth+1, n_labels, n_labels]
    adversaries = jax.random.bernoulli(k2, 0.5, (MAX_DEPTH + 1, N_LABELS, N_LABELS))
    return {"labels": labels, "adversaries": adversaries}


def reference(labels, adversaries):
    # label_leaf = labels[:, -1]
    label_leaf = labels[:, -1]
    masks = []
    for i in range(MIN_DEPTH, MAX_DEPTH + 1):
        # tf.gather_nd(adversaries, [[i, leaf_b]]_b) == adversaries[i, leaf_b, :]
        masks.append(jnp.take(adversaries[i], label_leaf, axis=0))
    # concat of mask[:, None, :] along axis=1 == stack along axis=1
    mask = jnp.stack(masks, axis=1)
    return mask

if __name__ == "__main__":
    import jax
    _d = setup_inputs()
    print(jax.jit(kernel)(*tuple(_d.values())))

</pallas_src>

<mosaic_0001>
#map = affine_map<(d0, d1) -> (0)>
#map1 = affine_map<(d0, d1) -> (0, 0)>
module attributes {stable_mosaic.version = 14 : i64} {
  func.func @_body(%arg0: i32, %arg1: i32, %arg2: memref<1024xi32, #tpu.memory_space<hbm>>, %arg3: memref<12288x256xi32, #tpu.memory_space<hbm>>, %arg4: memref<6144x256xi32, #tpu.memory_space<hbm>>, %arg5: memref<32xi32, #tpu.memory_space<vmem>>, %arg6: memref<12x16xi32, #tpu.memory_space<vmem>>, %arg7: memref<16x256xi32, #tpu.memory_space<vmem>>, %arg8: memref<16x256xi32, #tpu.memory_space<vmem>>, %arg9: memref<16x256xi32, #tpu.memory_space<vmem>>, %arg10: memref<!tpu.dma_semaphore, #tpu.memory_space<semaphore_mem>>, %arg11: memref<!tpu.dma_semaphore, #tpu.memory_space<semaphore_mem>>, %arg12: memref<!tpu.dma_semaphore, #tpu.memory_space<semaphore_mem>>) attributes {dimension_semantics = [#tpu.dimension_semantics<core_parallel>, #tpu.dimension_semantics<subcore_parallel>], iteration_bounds = array<i64: 2, 16>, scalar_prefetch = 0 : i64, scratch_operands = 8 : i64, tpu.core_type = #tpu.core_type<sc_vector_subcore>, window_params = [{transform_indices = #map}, {transform_indices = #map1}, {transform_indices = #map1}]} {
    %mul3A = arith.constant 2 : i32
    %mul3A_0 = arith.muli %arg1, %mul3A : i32
    %add3A = arith.addi %mul3A_0, %arg0 : i32
    %mul3A_1 = arith.constant 32 : i32
    %mul3A_2 = arith.muli %add3A, %mul3A_1 : i32
    "tpu.region"() ({
      %run_scoped3A = tpu.sem_alloc : memref<!tpu.dma_semaphore, #tpu.memory_space<semaphore_mem>>
      %dma_start3A_329 = tpu.memref_slice %arg2[%mul3A_2] : memref<1024xi32, #tpu.memory_space<hbm>> -> memref<32xi32, #tpu.memory_space<hbm>>
      %dma_start3A_330 = tpu.memref_slice %arg2[%mul3A_2] : memref<1024xi32, #tpu.memory_space<hbm>> -> memref<32xi32, #tpu.memory_space<hbm>>
      tpu.enqueue_dma source(%dma_start3A_330 : memref<32xi32, #tpu.memory_space<hbm>>) target(%arg5 : memref<32xi32, #tpu.memory_space<vmem>>) target_semaphore(%run_scoped3A : memref<!tpu.dma_semaphore, #tpu.memory_space<semaphore_mem>>)
      %dma_wait3A_331 = tpu.memref_slice %arg2[%mul3A_2] : memref<1024xi32, #tpu.memory_space<hbm>> -> memref<32xi32, #tpu.memory_space<hbm>>
      %dma_wait3A_332 = tpu.memref_slice %arg2[%mul3A_2] : memref<1024xi32, #tpu.memory_space<hbm>> -> memref<32xi32, #tpu.memory_space<hbm>>
      tpu.wait_dma2 semaphore(%run_scoped3A : memref<!tpu.dma_semaphore, #tpu.memory_space<semaphore_mem>>) src(%dma_wait3A_332 : memref<32xi32, #tpu.memory_space<hbm>>) dst(%arg5 : memref<32xi32, #tpu.memory_space<vmem>>)
      tpu.yield
    }) : () -> ()
    %get3A = arith.constant 0 : index
    %get3A_3 = tpu.vector_load %arg5[%get3A] {strides = array<i32>} : memref<32xi32, #tpu.memory_space<vmem>>, vector<16xi32>,
    %get3A_4 = vector.shape_cast %get3A_3 : vector<16xi32> to vector<16xi32>
    %get3A_5 = arith.constant 16 : index
    %get3A_6 = tpu.vector_load %arg5[%get3A_5] {strides = array<i32>} : memref<32xi32, #tpu.memory_space<vmem>>, vector<16xi32>,
    %get3A_7 = vector.shape_cast %get3A_6 : vector<16xi32> to vector<16xi32>
    %add3A_8 = arith.constant 0 : i32
    %add3A_9 = vector.broadcast %add3A_8 : i32 to vector<16xi32>
    %add3A_10 = arith.addi %get3A_4, %add3A_9 : vector<16xi32>
    %swap3A = arith.constant 0 : i32
    %swap3A_11 = arith.index_cast %swap3A : i32 to index
    %swap3A_12 = arith.constant 0 : index
    %swap3A_13 = tpu.vector_load %arg6[%swap3A_11, %swap3A_12] {strides = array<i32>} : memref<12x16xi32, #tpu.memory_space<vmem>>, vector<1x16xi32>,
    %swap3A_14 = vector.shape_cast %swap3A_13 : vector<1x16xi32> to vector<16xi32>
    %swap3A_15 = vector.shape_cast %add3A_10 : vector<16xi32> to vector<1x16xi32>
    tpu.vector_store %arg6[%swap3A_11, %swap3A_12], %swap3A_15 {strides = array<i32>} : memref<12x16xi32, #tpu.memory_space<vmem>>, vector<1x16xi32>,
    %add3A_16 = arith.constant 0 : i32
    %add3A_17 = vector.broadcast %add3A_16 : i32 to vector<16xi32>
    %add3A_18 = arith.addi %get3A_7, %add3A_17 : vector<16xi32>
    %swap3A_19 = arith.constant 1 : i32
    %swap3A_20 = arith.index_cast %swap3A_19 : i32 to index
    %swap3A_21 = arith.constant 0 : index
    %swap3A_22 = tpu.vector_load %arg6[%swap3A_20, %swap3A_21] {strides = array<i32>} : memref<12x16xi32, #tpu.memory_space<vmem>>, vector<1x16xi32>,
    %swap3A_23 = vector.shape_cast %swap3A_22 : vector<1x16xi32> to vector<16xi32>
    %swap3A_24 = vector.shape_cast %add3A_18 : vector<16xi32> to vector<1x16xi32>
    tpu.vector_store %arg6[%swap3A_20, %swap3A_21], %swap3A_24 {strides = array<i32>} : memref<12x16xi32, #tpu.memory_space<vmem>>, vector<1x16xi32>,
    %add3A_25 = arith.constant 2048 : i32
    %add3A_26 = vector.broadcast %add3A_25 : i32 to vector<16xi32>
    %add3A_27 = arith.addi %get3A_4, %add3A_26 : vector<16xi32>
    %swap3A_28 = arith.constant 2 : i32
    %swap3A_29 = arith.index_cast %swap3A_28 : i32 to index
    %swap3A_30 = arith.constant 0 : index
    %swap3A_31 = tpu.vector_load %arg6[%swap3A_29, %swap3A_30] {strides = array<i32>} : memref<12x16xi32, #tpu.memory_space<vmem>>, vector<1x16xi32>,
    %swap3A_32 = vector.shape_cast %swap3A_31 : vector<1x16xi32> to vector<16xi32>
    %swap3A_33 = vector.shape_cast %add3A_27 : vector<16xi32> to vector<1x16xi32>
    tpu.vector_store %arg6[%swap3A_29, %swap3A_30], %swap3A_33 {strides = array<i32>} : memref<12x16xi32, #tpu.memory_space<vmem>>, vector<1x16xi32>,
    %add3A_34 = arith.constant 2048 : i32
    %add3A_35 = vector.broadcast %add3A_34 : i32 to vector<16xi32>
    %add3A_36 = arith.addi %get3A_7, %add3A_35 : vector<16xi32>
    %swap3A_37 = arith.constant 3 : i32
    %swap3A_38 = arith.index_cast %swap3A_37 : i32 to index
    %swap3A_39 = arith.constant 0 : index
    %swap3A_40 = tpu.vector_load %arg6[%swap3A_38, %swap3A_39] {strides = array<i32>} : memref<12x16xi32, #tpu.memory_space<vmem>>, vector<1x16xi32>,
    %swap3A_41 = vector.shape_cast %swap3A_40 : vector<1x16xi32> to vector<16xi32>
    %swap3A_42 = vector.shape_cast %add3A_36 : vector<16xi32> to vector<1x16xi32>
    tpu.vector_store %arg6[%swap3A_38, %swap3A_39], %swap3A_42 {strides = array<i32>} : memref<12x16xi32, #tpu.memory_space<vmem>>, vector<1x16xi32>,
    %add3A_43 = arith.constant 4096 : i32
    %add3A_44 = vector.broadcast %add3A_43 : i32 to vector<16xi32>
    %add3A_45 = arith.addi %get3A_4, %add3A_44 : vector<16xi32>
    %swap3A_46 = arith.constant 4 : i32
    %swap3A_47 = arith.index_cast %swap3A_46 : i32 to index
    %swap3A_48 = arith.constant 0 : index
    %swap3A_49 = tpu.vector_load %arg6[%swap3A_47, %swap3A_48] {strides = array<i32>} : memref<12x16xi32, #tpu.memory_space<vmem>>, vector<1x16xi32>,
    %swap3A_50 = vector.shape_cast %swap3A_49 : vector<1x16xi32> to vector<16xi32>
    %swap3A_51 = vector.shape_cast %add3A_45 : vector<16xi32> to vector<1x16xi32>
    tpu.vector_store %arg6[%swap3A_47, %swap3A_48], %swap3A_51 {strides = array<i32>} : memref<12x16xi32, #tpu.memory_space<vmem>>, vector<1x16xi32>,
    %add3A_52 = arith.constant 4096 : i32
    %add3A_53 = vector.broadcast %add3A_52 : i32 to vector<16xi32>
    %add3A_54 = arith.addi %get3A_7, %add3A_53 : vector<16xi32>
    %swap3A_55 = arith.constant 5 : i32
    %swap3A_56 = arith.index_cast %swap3A_55 : i32 to index
    %swap3A_57 = arith.constant 0 : index
    %swap3A_58 = tpu.vector_load %arg6[%swap3A_56, %swap3A_57] {strides = array<i32>} : memref<12x16xi32, #tpu.memory_space<vmem>>, vector<1x16xi32>,
    %swap3A_59 = vector.shape_cast %swap3A_58 : vector<1x16xi32> to vector<16xi32>
    %swap3A_60 = vector.shape_cast %add3A_54 : vector<16xi32> to vector<1x16xi32>
    tpu.vector_store %arg6[%swap3A_56, %swap3A_57], %swap3A_60 {strides = array<i32>} : memref<12x16xi32, #tpu.memory_space<vmem>>, vector<1x16xi32>,
    %add3A_61 = arith.constant 6144 : i32
    %add3A_62 = vector.broadcast %add3A_61 : i32 to vector<16xi32>
    %add3A_63 = arith.addi %get3A_4, %add3A_62 : vector<16xi32>
    %swap3A_64 = arith.constant 6 : i32
    %swap3A_65 = arith.index_cast %swap3A_64 : i32 to index
    %swap3A_66 = arith.constant 0 : index
    %swap3A_67 = tpu.vector_load %arg6[%swap3A_65, %swap3A_66] {strides = array<i32>} : memref<12x16xi32, #tpu.memory_space<vmem>>, vector<1x16xi32>,
    %swap3A_68 = vector.shape_cast %swap3A_67 : vector<1x16xi32> to vector<16xi32>
    %swap3A_69 = vector.shape_cast %add3A_63 : vector<16xi32> to vector<1x16xi32>
    tpu.vector_store %arg6[%swap3A_65, %swap3A_66], %swap3A_69 {strides = array<i32>} : memref<12x16xi32, #tpu.memory_space<vmem>>, vector<1x16xi32>,
    %add3A_70 = arith.constant 6144 : i32
    %add3A_71 = vector.broadcast %add3A_70 : i32 to vector<16xi32>
    %add3A_72 = arith.addi %get3A_7, %add3A_71 : vector<16xi32>
    %swap3A_73 = arith.constant 7 : i32
    %swap3A_74 = arith.index_cast %swap3A_73 : i32 to index
    %swap3A_75 = arith.constant 0 : index
    %swap3A_76 = tpu.vector_load %arg6[%swap3A_74, %swap3A_75] {strides = array<i32>} : memref<12x16xi32, #tpu.memory_space<vmem>>, vector<1x16xi32>,
    %swap3A_77 = vector.shape_cast %swap3A_76 : vector<1x16xi32> to vector<16xi32>
    %swap3A_78 = vector.shape_cast %add3A_72 : vector<16xi32> to vector<1x16xi32>
    tpu.vector_store %arg6[%swap3A_74, %swap3A_75], %swap3A_78 {strides = array<i32>} : memref<12x16xi32, #tpu.memory_space<vmem>>, vector<1x16xi32>,
    %add3A_79 = arith.constant 8192 : i32
    %add3A_80 = vector.broadcast %add3A_79 : i32 to vector<16xi32>
    %add3A_81 = arith.addi %get3A_4, %add3A_80 : vector<16xi32>
    %swap3A_82 = arith.constant 8 : i32
    %swap3A_83 = arith.index_cast %swap3A_82 : i32 to index
    %swap3A_84 = arith.constant 0 : index
    %swap3A_85 = tpu.vector_load %arg6[%swap3A_83, %swap3A_84] {strides = array<i32>} : memref<12x16xi32, #tpu.memory_space<vmem>>, vector<1x16xi32>,
    %swap3A_86 = vector.shape_cast %swap3A_85 : vector<1x16xi32> to vector<16xi32>
    %swap3A_87 = vector.shape_cast %add3A_81 : vector<16xi32> to vector<1x16xi32>
    tpu.vector_store %arg6[%swap3A_83, %swap3A_84], %swap3A_87 {strides = array<i32>} : memref<12x16xi32, #tpu.memory_space<vmem>>, vector<1x16xi32>,
    %add3A_88 = arith.constant 8192 : i32
    %add3A_89 = vector.broadcast %add3A_88 : i32 to vector<16xi32>
    %add3A_90 = arith.addi %get3A_7, %add3A_89 : vector<16xi32>
    %swap3A_91 = arith.constant 9 : i32
    %swap3A_92 = arith.index_cast %swap3A_91 : i32 to index
    %swap3A_93 = arith.constant 0 : index
    %swap3A_94 = tpu.vector_load %arg6[%swap3A_92, %swap3A_93] {strides = array<i32>} : memref<12x16xi32, #tpu.memory_space<vmem>>, vector<1x16xi32>,
    %swap3A_95 = vector.shape_cast %swap3A_94 : vector<1x16xi32> to vector<16xi32>
    %swap3A_96 = vector.shape_cast %add3A_90 : vector<16xi32> to vector<1x16xi32>
    tpu.vector_store %arg6[%swap3A_92, %swap3A_93], %swap3A_96 {strides = array<i32>} : memref<12x16xi32, #tpu.memory_space<vmem>>, vector<1x16xi32>,
    %add3A_97 = arith.constant 10240 : i32
    %add3A_98 = vector.broadcast %add3A_97 : i32 to vector<16xi32>
    %add3A_99 = arith.addi %get3A_4, %add3A_98 : vector<16xi32>
    %swap3A_100 = arith.constant 10 : i32
    %swap3A_101 = arith.index_cast %swap3A_100 : i32 to index
    %swap3A_102 = arith.constant 0 : index
    %swap3A_103 = tpu.vector_load %arg6[%swap3A_101, %swap3A_102] {strides = array<i32>} : memref<12x16xi32, #tpu.memory_space<vmem>>, vector<1x16xi32>,
    %swap3A_104 = vector.shape_cast %swap3A_103 : vector<1x16xi32> to vector<16xi32>
    %swap3A_105 = vector.shape_cast %add3A_99 : vector<16xi32> to vector<1x16xi32>
    tpu.vector_store %arg6[%swap3A_101, %swap3A_102], %swap3A_105 {strides = array<i32>} : memref<12x16xi32, #tpu.memory_space<vmem>>, vector<1x16xi32>,
    %add3A_106 = arith.constant 10240 : i32
    %add3A_107 = vector.broadcast %add3A_106 : i32 to vector<16xi32>
    %add3A_108 = arith.addi %get3A_7, %add3A_107 : vector<16xi32>
    %swap3A_109 = arith.constant 11 : i32
    %swap3A_110 = arith.index_cast %swap3A_109 : i32 to index
    %swap3A_111 = arith.constant 0 : index
    %swap3A_112 = tpu.vector_load %arg6[%swap3A_110, %swap3A_111] {strides = array<i32>} : memref<12x16xi32, #tpu.memory_space<vmem>>, vector<1x16xi32>,
    %swap3A_113 = vector.shape_cast %swap3A_112 : vector<1x16xi32> to vector<16xi32>
    %swap3A_114 = vector.shape_cast %add3A_108 : vector<16xi32> to vector<1x16xi32>
    tpu.vector_store %arg6[%swap3A_110, %swap3A_111], %swap3A_114 {strides = array<i32>} : memref<12x16xi32, #tpu.memory_space<vmem>>, vector<1x16xi32>,
    %dma_start3A = arith.constant 0 : i32
    %dma_start3A_115 = arith.constant 0 : i32
    %dma_start3A_116 = tpu.memref_slice %arg6[%dma_start3A, %dma_start3A_115] : memref<12x16xi32, #tpu.memory_space<vmem>> -> memref<1x16xi32, #tpu.memory_space<vmem>>
    %dma_start3A_117 = tpu.memref_squeeze %dma_start3A_116 : memref<1x16xi32, #tpu.memory_space<vmem>> -> memref<16xi32, #tpu.memory_space<vmem>>
    %dma_start3A_118 = arith.constant 0 : i32
    %dma_start3A_119 = arith.constant 0 : i32
    %dma_start3A_120 = tpu.memref_slice %arg3[%dma_start3A_118, %dma_start3A_119] : memref<12288x256xi32, #tpu.memory_space<hbm>> -> memref<12288x256xi32, #tpu.memory_space<hbm>>
    tpu.enqueue_indirect_dma source(%dma_start3A_120 : memref<12288x256xi32, #tpu.memory_space<hbm>>) target(%arg7 : memref<16x256xi32, #tpu.memory_space<vmem>>) offsets(%dma_start3A_117 : memref<16xi32, #tpu.memory_space<vmem>>) semaphore(%arg10 : memref<!tpu.dma_semaphore, #tpu.memory_space<semaphore_mem>>)
    %dma_start3A_121 = arith.constant 1 : i32
    %dma_start3A_122 = arith.constant 0 : i32
    %dma_start3A_123 = tpu.memref_slice %arg6[%dma_start3A_121, %dma_start3A_122] : memref<12x16xi32, #tpu.memory_space<vmem>> -> memref<1x16xi32, #tpu.memory_space<vmem>>
    %dma_start3A_124 = tpu.memref_squeeze %dma_start3A_123 : memref<1x16xi32, #tpu.memory_space<vmem>> -> memref<16xi32, #tpu.memory_space<vmem>>
    %dma_start3A_125 = arith.constant 0 : i32
    %dma_start3A_126 = arith.constant 0 : i32
    %dma_start3A_127 = tpu.memref_slice %arg3[%dma_start3A_125, %dma_start3A_126] : memref<12288x256xi32, #tpu.memory_space<hbm>> -> memref<12288x256xi32, #tpu.memory_space<hbm>>
    tpu.enqueue_indirect_dma source(%dma_start3A_127 : memref<12288x256xi32, #tpu.memory_space<hbm>>) target(%arg8 : memref<16x256xi32, #tpu.memory_space<vmem>>) offsets(%dma_start3A_124 : memref<16xi32, #tpu.memory_space<vmem>>) semaphore(%arg11 : memref<!tpu.dma_semaphore, #tpu.memory_space<semaphore_mem>>)
    %dma_start3A_128 = arith.constant 2 : i32
    %dma_start3A_129 = arith.constant 0 : i32
    %dma_start3A_130 = tpu.memref_slice %arg6[%dma_start3A_128, %dma_start3A_129] : memref<12x16xi32, #tpu.memory_space<vmem>> -> memref<1x16xi32, #tpu.memory_space<vmem>>
    %dma_start3A_131 = tpu.memref_squeeze %dma_start3A_130 : memref<1x16xi32, #tpu.memory_space<vmem>> -> memref<16xi32, #tpu.memory_space<vmem>>
    %dma_start3A_132 = arith.constant 0 : i32
    %dma_start3A_133 = arith.constant 0 : i32
    %dma_start3A_134 = tpu.memref_slice %arg3[%dma_start3A_132, %dma_start3A_133] : memref<12288x256xi32, #tpu.memory_space<hbm>> -> memref<12288x256xi32, #tpu.memory_space<hbm>>
    tpu.enqueue_indirect_dma source(%dma_start3A_134 : memref<12288x256xi32, #tpu.memory_space<hbm>>) target(%arg9 : memref<16x256xi32, #tpu.memory_space<vmem>>) offsets(%dma_start3A_131 : memref<16xi32, #tpu.memory_space<vmem>>) semaphore(%arg12 : memref<!tpu.dma_semaphore, #tpu.memory_space<semaphore_mem>>)
    %dma_wait3A = arith.constant 0 : i32
    %dma_wait3A_135 = arith.constant 0 : i32
    %dma_wait3A_136 = tpu.memref_slice %arg6[%dma_wait3A, %dma_wait3A_135] : memref<12x16xi32, #tpu.memory_space<vmem>> -> memref<1x16xi32, #tpu.memory_space<vmem>>
    %dma_wait3A_137 = tpu.memref_squeeze %dma_wait3A_136 : memref<1x16xi32, #tpu.memory_space<vmem>> -> memref<16xi32, #tpu.memory_space<vmem>>
    %dma_wait3A_138 = arith.constant 0 : i32
    %dma_wait3A_139 = arith.constant 0 : i32
    %dma_wait3A_140 = tpu.memref_slice %arg3[%dma_wait3A_138, %dma_wait3A_139] : memref<12288x256xi32, #tpu.memory_space<hbm>> -> memref<12288x256xi32, #tpu.memory_space<hbm>>
    tpu.wait_indirect_dma semaphore(%arg10 : memref<!tpu.dma_semaphore, #tpu.memory_space<semaphore_mem>>) src(%dma_wait3A_140 : memref<12288x256xi32, #tpu.memory_space<hbm>>) dst(%arg7 : memref<16x256xi32, #tpu.memory_space<vmem>>)
    %add3A_141 = arith.constant 0 : i32
    %add3A_142 = arith.addi %add3A_141, %mul3A_2 : i32
    %add3A_143 = arith.constant 0 : i32
    %add3A_144 = arith.addi %add3A_142, %add3A_143 : i32
    "tpu.region"() ({
      %run_scoped3A = tpu.sem_alloc : memref<!tpu.dma_semaphore, #tpu.memory_space<semaphore_mem>>
      %dma_start3A_329 = arith.constant 0 : i32
      %dma_start3A_330 = tpu.memref_slice %arg4[%add3A_144, %dma_start3A_329] : memref<6144x256xi32, #tpu.memory_space<hbm>> -> memref<16x256xi32, #tpu.memory_space<hbm>>
      %dma_start3A_331 = arith.constant 0 : i32
      %dma_start3A_332 = tpu.memref_slice %arg4[%add3A_144, %dma_start3A_331] : memref<6144x256xi32, #tpu.memory_space<hbm>> -> memref<16x256xi32, #tpu.memory_space<hbm>>
      tpu.enqueue_dma source(%arg7 : memref<16x256xi32, #tpu.memory_space<vmem>>) target(%dma_start3A_332 : memref<16x256xi32, #tpu.memory_space<hbm>>) target_semaphore(%run_scoped3A : memref<!tpu.dma_semaphore, #tpu.memory_space<semaphore_mem>>)
      %dma_wait3A_333 = arith.constant 0 : i32
      %dma_wait3A_334 = tpu.memref_slice %arg4[%add3A_144, %dma_wait3A_333] : memref<6144x256xi32, #tpu.memory_space<hbm>> -> memref<16x256xi32, #tpu.memory_space<hbm>>
      %dma_wait3A_335 = arith.constant 0 : i32
      %dma_wait3A_336 = tpu.memref_slice %arg4[%add3A_144, %dma_wait3A_335] : memref<6144x256xi32, #tpu.memory_space<hbm>> -> memref<16x256xi32, #tpu.memory_space<hbm>>
      tpu.wait_dma2 semaphore(%run_scoped3A : memref<!tpu.dma_semaphore, #tpu.memory_space<semaphore_mem>>) src(%arg7 : memref<16x256xi32, #tpu.memory_space<vmem>>) dst(%dma_wait3A_336 : memref<16x256xi32, #tpu.memory_space<hbm>>)
      tpu.yield
    }) : () -> ()
    %dma_start3A_145 = arith.constant 3 : i32
    %dma_start3A_146 = arith.constant 0 : i32
    %dma_start3A_147 = tpu.memref_slice %arg6[%dma_start3A_145, %dma_start3A_146] : memref<12x16xi32, #tpu.memory_space<vmem>> -> memref<1x16xi32, #tpu.memory_space<vmem>>
    %dma_start3A_148 = tpu.memref_squeeze %dma_start3A_147 : memref<1x16xi32, #tpu.memory_space<vmem>> -> memref<16xi32, #tpu.memory_space<vmem>>
    %dma_start3A_149 = arith.constant 0 : i32
    %dma_start3A_150 = arith.constant 0 : i32
    %dma_start3A_151 = tpu.memref_slice %arg3[%dma_start3A_149, %dma_start3A_150] : memref<12288x256xi32, #tpu.memory_space<hbm>> -> memref<12288x256xi32, #tpu.memory_space<hbm>>
    tpu.enqueue_indirect_dma source(%dma_start3A_151 : memref<12288x256xi32, #tpu.memory_space<hbm>>) target(%arg7 : memref<16x256xi32, #tpu.memory_space<vmem>>) offsets(%dma_start3A_148 : memref<16xi32, #tpu.memory_space<vmem>>) semaphore(%arg10 : memref<!tpu.dma_semaphore, #tpu.memory_space<semaphore_mem>>)
    %dma_wait3A_152 = arith.constant 1 : i32
    %dma_wait3A_153 = arith.constant 0 : i32
    %dma_wait3A_154 = tpu.memref_slice %arg6[%dma_wait3A_152, %dma_wait3A_153] : memref<12x16xi32, #tpu.memory_space<vmem>> -> memref<1x16xi32, #tpu.memory_space<vmem>>
    %dma_wait3A_155 = tpu.memref_squeeze %dma_wait3A_154 : memref<1x16xi32, #tpu.memory_space<vmem>> -> memref<16xi32, #tpu.memory_space<vmem>>
    %dma_wait3A_156 = arith.constant 0 : i32
    %dma_wait3A_157 = arith.constant 0 : i32
    %dma_wait3A_158 = tpu.memref_slice %arg3[%dma_wait3A_156, %dma_wait3A_157] : memref<12288x256xi32, #tpu.memory_space<hbm>> -> memref<12288x256xi32, #tpu.memory_space<hbm>>
    tpu.wait_indirect_dma semaphore(%arg11 : memref<!tpu.dma_semaphore, #tpu.memory_space<semaphore_mem>>) src(%dma_wait3A_158 : memref<12288x256xi32, #tpu.memory_space<hbm>>) dst(%arg8 : memref<16x256xi32, #tpu.memory_space<vmem>>)
    %add3A_159 = arith.constant 0 : i32
    %add3A_160 = arith.addi %add3A_159, %mul3A_2 : i32
    %add3A_161 = arith.constant 16 : i32
    %add3A_162 = arith.addi %add3A_160, %add3A_161 : i32
    "tpu.region"() ({
      %run_scoped3A = tpu.sem_alloc : memref<!tpu.dma_semaphore, #tpu.memory_space<semaphore_mem>>
      %dma_start3A_329 = arith.constant 0 : i32
      %dma_start3A_330 = tpu.memref_slice %arg4[%add3A_162, %dma_start3A_329] : memref<6144x256xi32, #tpu.memory_space<hbm>> -> memref<16x256xi32, #tpu.memory_space<hbm>>
      %dma_start3A_331 = arith.constant 0 : i32
      %dma_start3A_332 = tpu.memref_slice %arg4[%add3A_162, %dma_start3A_331] : memref<6144x256xi32, #tpu.memory_space<hbm>> -> memref<16x256xi32, #tpu.memory_space<hbm>>
      tpu.enqueue_dma source(%arg8 : memref<16x256xi32, #tpu.memory_space<vmem>>) target(%dma_start3A_332 : memref<16x256xi32, #tpu.memory_space<hbm>>) target_semaphore(%run_scoped3A : memref<!tpu.dma_semaphore, #tpu.memory_space<semaphore_mem>>)
      %dma_wait3A_333 = arith.constant 0 : i32
      %dma_wait3A_334 = tpu.memref_slice %arg4[%add3A_162, %dma_wait3A_333] : memref<6144x256xi32, #tpu.memory_space<hbm>> -> memref<16x256xi32, #tpu.memory_space<hbm>>
      %dma_wait3A_335 = arith.constant 0 : i32
      %dma_wait3A_336 = tpu.memref_slice %arg4[%add3A_162, %dma_wait3A_335] : memref<6144x256xi32, #tpu.memory_space<hbm>> -> memref<16x256xi32, #tpu.memory_space<hbm>>
      tpu.wait_dma2 semaphore(%run_scoped3A : memref<!tpu.dma_semaphore, #tpu.memory_space<semaphore_mem>>) src(%arg8 : memref<16x256xi32, #tpu.memory_space<vmem>>) dst(%dma_wait3A_336 : memref<16x256xi32, #tpu.memory_space<hbm>>)
      tpu.yield
    }) : () -> ()
    %dma_start3A_163 = arith.constant 4 : i32
    %dma_start3A_164 = arith.constant 0 : i32
    %dma_start3A_165 = tpu.memref_slice %arg6[%dma_start3A_163, %dma_start3A_164] : memref<12x16xi32, #tpu.memory_space<vmem>> -> memref<1x16xi32, #tpu.memory_space<vmem>>
    %dma_start3A_166 = tpu.memref_squeeze %dma_start3A_165 : memref<1x16xi32, #tpu.memory_space<vmem>> -> memref<16xi32, #tpu.memory_space<vmem>>
    %dma_start3A_167 = arith.constant 0 : i32
    %dma_start3A_168 = arith.constant 0 : i32
    %dma_start3A_169 = tpu.memref_slice %arg3[%dma_start3A_167, %dma_start3A_168] : memref<12288x256xi32, #tpu.memory_space<hbm>> -> memref<12288x256xi32, #tpu.memory_space<hbm>>
    tpu.enqueue_indirect_dma source(%dma_start3A_169 : memref<12288x256xi32, #tpu.memory_space<hbm>>) target(%arg8 : memref<16x256xi32, #tpu.memory_space<vmem>>) offsets(%dma_start3A_166 : memref<16xi32, #tpu.memory_space<vmem>>) semaphore(%arg11 : memref<!tpu.dma_semaphore, #tpu.memory_space<semaphore_mem>>)
    %dma_wait3A_170 = arith.constant 2 : i32
    %dma_wait3A_171 = arith.constant 0 : i32
    %dma_wait3A_172 = tpu.memref_slice %arg6[%dma_wait3A_170, %dma_wait3A_171] : memref<12x16xi32, #tpu.memory_space<vmem>> -> memref<1x16xi32, #tpu.memory_space<vmem>>
    %dma_wait3A_173 = tpu.memref_squeeze %dma_wait3A_172 : memref<1x16xi32, #tpu.memory_space<vmem>> -> memref<16xi32, #tpu.memory_space<vmem>>
    %dma_wait3A_174 = arith.constant 0 : i32
    %dma_wait3A_175 = arith.constant 0 : i32
    %dma_wait3A_176 = tpu.memref_slice %arg3[%dma_wait3A_174, %dma_wait3A_175] : memref<12288x256xi32, #tpu.memory_space<hbm>> -> memref<12288x256xi32, #tpu.memory_space<hbm>>
    tpu.wait_indirect_dma semaphore(%arg12 : memref<!tpu.dma_semaphore, #tpu.memory_space<semaphore_mem>>) src(%dma_wait3A_176 : memref<12288x256xi32, #tpu.memory_space<hbm>>) dst(%arg9 : memref<16x256xi32, #tpu.memory_space<vmem>>)
    %add3A_177 = arith.constant 1024 : i32
    %add3A_178 = arith.addi %add3A_177, %mul3A_2 : i32
    %add3A_179 = arith.constant 0 : i32
    %add3A_180 = arith.addi %add3A_178, %add3A_179 : i32
    "tpu.region"() ({
      %run_scoped3A = tpu.sem_alloc : memref<!tpu.dma_semaphore, #tpu.memory_space<semaphore_mem>>
      %dma_start3A_329 = arith.constant 0 : i32
      %dma_start3A_330 = tpu.memref_slice %arg4[%add3A_180, %dma_start3A_329] : memref<6144x256xi32, #tpu.memory_space<hbm>> -> memref<16x256xi32, #tpu.memory_space<hbm>>
      %dma_start3A_331 = arith.constant 0 : i32
      %dma_start3A_332 = tpu.memref_slice %arg4[%add3A_180, %dma_start3A_331] : memref<6144x256xi32, #tpu.memory_space<hbm>> -> memref<16x256xi32, #tpu.memory_space<hbm>>
      tpu.enqueue_dma source(%arg9 : memref<16x256xi32, #tpu.memory_space<vmem>>) target(%dma_start3A_332 : memref<16x256xi32, #tpu.memory_space<hbm>>) target_semaphore(%run_scoped3A : memref<!tpu.dma_semaphore, #tpu.memory_space<semaphore_mem>>)
      %dma_wait3A_333 = arith.constant 0 : i32
      %dma_wait3A_334 = tpu.memref_slice %arg4[%add3A_180, %dma_wait3A_333] : memref<6144x256xi32, #tpu.memory_space<hbm>> -> memref<16x256xi32, #tpu.memory_space<hbm>>
      %dma_wait3A_335 = arith.constant 0 : i32
      %dma_wait3A_336 = tpu.memref_slice %arg4[%add3A_180, %dma_wait3A_335] : memref<6144x256xi32, #tpu.memory_space<hbm>> -> memref<16x256xi32, #tpu.memory_space<hbm>>
      tpu.wait_dma2 semaphore(%run_scoped3A : memref<!tpu.dma_semaphore, #tpu.memory_space<semaphore_mem>>) src(%arg9 : memref<16x256xi32, #tpu.memory_space<vmem>>) dst(%dma_wait3A_336 : memref<16x256xi32, #tpu.memory_space<hbm>>)
      tpu.yield
    }) : () -> ()
    %dma_start3A_181 = arith.constant 5 : i32
    %dma_start3A_182 = arith.constant 0 : i32
    %dma_start3A_183 = tpu.memref_slice %arg6[%dma_start3A_181, %dma_start3A_182] : memref<12x16xi32, #tpu.memory_space<vmem>> -> memref<1x16xi32, #tpu.memory_space<vmem>>
    %dma_start3A_184 = tpu.memref_squeeze %dma_start3A_183 : memref<1x16xi32, #tpu.memory_space<vmem>> -> memref<16xi32, #tpu.memory_space<vmem>>
    %dma_start3A_185 = arith.constant 0 : i32
    %dma_start3A_186 = arith.constant 0 : i32
    %dma_start3A_187 = tpu.memref_slice %arg3[%dma_start3A_185, %dma_start3A_186] : memref<12288x256xi32, #tpu.memory_space<hbm>> -> memref<12288x256xi32, #tpu.memory_space<hbm>>
    tpu.enqueue_indirect_dma source(%dma_start3A_187 : memref<12288x256xi32, #tpu.memory_space<hbm>>) target(%arg9 : memref<16x256xi32, #tpu.memory_space<vmem>>) offsets(%dma_start3A_184 : memref<16xi32, #tpu.memory_space<vmem>>) semaphore(%arg12 : memref<!tpu.dma_semaphore, #tpu.memory_space<semaphore_mem>>)
    %dma_wait3A_188 = arith.constant 3 : i32
    %dma_wait3A_189 = arith.constant 0 : i32
    %dma_wait3A_190 = tpu.memref_slice %arg6[%dma_wait3A_188, %dma_wait3A_189] : memref<12x16xi32, #tpu.memory_space<vmem>> -> memref<1x16xi32, #tpu.memory_space<vmem>>
    %dma_wait3A_191 = tpu.memref_squeeze %dma_wait3A_190 : memref<1x16xi32, #tpu.memory_space<vmem>> -> memref<16xi32, #tpu.memory_space<vmem>>
    %dma_wait3A_192 = arith.constant 0 : i32
    %dma_wait3A_193 = arith.constant 0 : i32
    %dma_wait3A_194 = tpu.memref_slice %arg3[%dma_wait3A_192, %dma_wait3A_193] : memref<12288x256xi32, #tpu.memory_space<hbm>> -> memref<12288x256xi32, #tpu.memory_space<hbm>>
    tpu.wait_indirect_dma semaphore(%arg10 : memref<!tpu.dma_semaphore, #tpu.memory_space<semaphore_mem>>) src(%dma_wait3A_194 : memref<12288x256xi32, #tpu.memory_space<hbm>>) dst(%arg7 : memref<16x256xi32, #tpu.memory_space<vmem>>)
    %add3A_195 = arith.constant 1024 : i32
    %add3A_196 = arith.addi %add3A_195, %mul3A_2 : i32
    %add3A_197 = arith.constant 16 : i32
    %add3A_198 = arith.addi %add3A_196, %add3A_197 : i32
    "tpu.region"() ({
      %run_scoped3A = tpu.sem_alloc : memref<!tpu.dma_semaphore, #tpu.memory_space<semaphore_mem>>
      %dma_start3A_329 = arith.constant 0 : i32
      %dma_start3A_330 = tpu.memref_slice %arg4[%add3A_198, %dma_start3A_329] : memref<6144x256xi32, #tpu.memory_space<hbm>> -> memref<16x256xi32, #tpu.memory_space<hbm>>
      %dma_start3A_331 = arith.constant 0 : i32
      %dma_start3A_332 = tpu.memref_slice %arg4[%add3A_198, %dma_start3A_331] : memref<6144x256xi32, #tpu.memory_space<hbm>> -> memref<16x256xi32, #tpu.memory_space<hbm>>
      tpu.enqueue_dma source(%arg7 : memref<16x256xi32, #tpu.memory_space<vmem>>) target(%dma_start3A_332 : memref<16x256xi32, #tpu.memory_space<hbm>>) target_semaphore(%run_scoped3A : memref<!tpu.dma_semaphore, #tpu.memory_space<semaphore_mem>>)
      %dma_wait3A_333 = arith.constant 0 : i32
      %dma_wait3A_334 = tpu.memref_slice %arg4[%add3A_198, %dma_wait3A_333] : memref<6144x256xi32, #tpu.memory_space<hbm>> -> memref<16x256xi32, #tpu.memory_space<hbm>>
      %dma_wait3A_335 = arith.constant 0 : i32
      %dma_wait3A_336 = tpu.memref_slice %arg4[%add3A_198, %dma_wait3A_335] : memref<6144x256xi32, #tpu.memory_space<hbm>> -> memref<16x256xi32, #tpu.memory_space<hbm>>
      tpu.wait_dma2 semaphore(%run_scoped3A : memref<!tpu.dma_semaphore, #tpu.memory_space<semaphore_mem>>) src(%arg7 : memref<16x256xi32, #tpu.memory_space<vmem>>) dst(%dma_wait3A_336 : memref<16x256xi32, #tpu.memory_space<hbm>>)
      tpu.yield
    }) : () -> ()
    %dma_start3A_199 = arith.constant 6 : i32
    %dma_start3A_200 = arith.constant 0 : i32
    %dma_start3A_201 = tpu.memref_slice %arg6[%dma_start3A_199, %dma_start3A_200] : memref<12x16xi32, #tpu.memory_space<vmem>> -> memref<1x16xi32, #tpu.memory_space<vmem>>
    %dma_start3A_202 = tpu.memref_squeeze %dma_start3A_201 : memref<1x16xi32, #tpu.memory_space<vmem>> -> memref<16xi32, #tpu.memory_space<vmem>>
    %dma_start3A_203 = arith.constant 0 : i32
    %dma_start3A_204 = arith.constant 0 : i32
    %dma_start3A_205 = tpu.memref_slice %arg3[%dma_start3A_203, %dma_start3A_204] : memref<12288x256xi32, #tpu.memory_space<hbm>> -> memref<12288x256xi32, #tpu.memory_space<hbm>>
    tpu.enqueue_indirect_dma source(%dma_start3A_205 : memref<12288x256xi32, #tpu.memory_space<hbm>>) target(%arg7 : memref<16x256xi32, #tpu.memory_space<vmem>>) offsets(%dma_start3A_202 : memref<16xi32, #tpu.memory_space<vmem>>) semaphore(%arg10 : memref<!tpu.dma_semaphore, #tpu.memory_space<semaphore_mem>>)
    %dma_wait3A_206 = arith.constant 4 : i32
    %dma_wait3A_207 = arith.constant 0 : i32
    %dma_wait3A_208 = tpu.memref_slice %arg6[%dma_wait3A_206, %dma_wait3A_207] : memref<12x16xi32, #tpu.memory_space<vmem>> -> memref<1x16xi32, #tpu.memory_space<vmem>>
    %dma_wait3A_209 = tpu.memref_squeeze %dma_wait3A_208 : memref<1x16xi32, #tpu.memory_space<vmem>> -> memref<16xi32, #tpu.memory_space<vmem>>
    %dma_wait3A_210 = arith.constant 0 : i32
    %dma_wait3A_211 = arith.constant 0 : i32
    %dma_wait3A_212 = tpu.memref_slice %arg3[%dma_wait3A_210, %dma_wait3A_211] : memref<12288x256xi32, #tpu.memory_space<hbm>> -> memref<12288x256xi32, #tpu.memory_space<hbm>>
    tpu.wait_indirect_dma semaphore(%arg11 : memref<!tpu.dma_semaphore, #tpu.memory_space<semaphore_mem>>) src(%dma_wait3A_212 : memref<12288x256xi32, #tpu.memory_space<hbm>>) dst(%arg8 : memref<16x256xi32, #tpu.memory_space<vmem>>)
    %add3A_213 = arith.constant 2048 : i32
    %add3A_214 = arith.addi %add3A_213, %mul3A_2 : i32
    %add3A_215 = arith.constant 0 : i32
    %add3A_216 = arith.addi %add3A_214, %add3A_215 : i32
    "tpu.region"() ({
      %run_scoped3A = tpu.sem_alloc : memref<!tpu.dma_semaphore, #tpu.memory_space<semaphore_mem>>
      %dma_start3A_329 = arith.constant 0 : i32
      %dma_start3A_330 = tpu.memref_slice %arg4[%add3A_216, %dma_start3A_329] : memref<6144x256xi32, #tpu.memory_space<hbm>> -> memref<16x256xi32, #tpu.memory_space<hbm>>
      %dma_start3A_331 = arith.constant 0 : i32
      %dma_start3A_332 = tpu.memref_slice %arg4[%add3A_216, %dma_start3A_331] : memref<6144x256xi32, #tpu.memory_space<hbm>> -> memref<16x256xi32, #tpu.memory_space<hbm>>
      tpu.enqueue_dma source(%arg8 : memref<16x256xi32, #tpu.memory_space<vmem>>) target(%dma_start3A_332 : memref<16x256xi32, #tpu.memory_space<hbm>>) target_semaphore(%run_scoped3A : memref<!tpu.dma_semaphore, #tpu.memory_space<semaphore_mem>>)
      %dma_wait3A_333 = arith.constant 0 : i32
      %dma_wait3A_334 = tpu.memref_slice %arg4[%add3A_216, %dma_wait3A_333] : memref<6144x256xi32, #tpu.memory_space<hbm>> -> memref<16x256xi32, #tpu.memory_space<hbm>>
      %dma_wait3A_335 = arith.constant 0 : i32
      %dma_wait3A_336 = tpu.memref_slice %arg4[%add3A_216, %dma_wait3A_335] : memref<6144x256xi32, #tpu.memory_space<hbm>> -> memref<16x256xi32, #tpu.memory_space<hbm>>
      tpu.wait_dma2 semaphore(%run_scoped3A : memref<!tpu.dma_semaphore, #tpu.memory_space<semaphore_mem>>) src(%arg8 : memref<16x256xi32, #tpu.memory_space<vmem>>) dst(%dma_wait3A_336 : memref<16x256xi32, #tpu.memory_space<hbm>>)
      tpu.yield
    }) : () -> ()
    %dma_start3A_217 = arith.constant 7 : i32
    %dma_start3A_218 = arith.constant 0 : i32
    %dma_start3A_219 = tpu.memref_slice %arg6[%dma_start3A_217, %dma_start3A_218] : memref<12x16xi32, #tpu.memory_space<vmem>> -> memref<1x16xi32, #tpu.memory_space<vmem>>
    %dma_start3A_220 = tpu.memref_squeeze %dma_start3A_219 : memref<1x16xi32, #tpu.memory_space<vmem>> -> memref<16xi32, #tpu.memory_space<vmem>>
    %dma_start3A_221 = arith.constant 0 : i32
    %dma_start3A_222 = arith.constant 0 : i32
    %dma_start3A_223 = tpu.memref_slice %arg3[%dma_start3A_221, %dma_start3A_222] : memref<12288x256xi32, #tpu.memory_space<hbm>> -> memref<12288x256xi32, #tpu.memory_space<hbm>>
    tpu.enqueue_indirect_dma source(%dma_start3A_223 : memref<12288x256xi32, #tpu.memory_space<hbm>>) target(%arg8 : memref<16x256xi32, #tpu.memory_space<vmem>>) offsets(%dma_start3A_220 : memref<16xi32, #tpu.memory_space<vmem>>) semaphore(%arg11 : memref<!tpu.dma_semaphore, #tpu.memory_space<semaphore_mem>>)
    %dma_wait3A_224 = arith.constant 5 : i32
    %dma_wait3A_225 = arith.constant 0 : i32
    %dma_wait3A_226 = tpu.memref_slice %arg6[%dma_wait3A_224, %dma_wait3A_225] : memref<12x16xi32, #tpu.memory_space<vmem>> -> memref<1x16xi32, #tpu.memory_space<vmem>>
    %dma_wait3A_227 = tpu.memref_squeeze %dma_wait3A_226 : memref<1x16xi32, #tpu.memory_space<vmem>> -> memref<16xi32, #tpu.memory_space<vmem>>
    %dma_wait3A_228 = arith.constant 0 : i32
    %dma_wait3A_229 = arith.constant 0 : i32
    %dma_wait3A_230 = tpu.memref_slice %arg3[%dma_wait3A_228, %dma_wait3A_229] : memref<12288x256xi32, #tpu.memory_space<hbm>> -> memref<12288x256xi32, #tpu.memory_space<hbm>>
    tpu.wait_indirect_dma semaphore(%arg12 : memref<!tpu.dma_semaphore, #tpu.memory_space<semaphore_mem>>) src(%dma_wait3A_230 : memref<12288x256xi32, #tpu.memory_space<hbm>>) dst(%arg9 : memref<16x256xi32, #tpu.memory_space<vmem>>)
    %add3A_231 = arith.constant 2048 : i32
    %add3A_232 = arith.addi %add3A_231, %mul3A_2 : i32
    %add3A_233 = arith.constant 16 : i32
    %add3A_234 = arith.addi %add3A_232, %add3A_233 : i32
    "tpu.region"() ({
      %run_scoped3A = tpu.sem_alloc : memref<!tpu.dma_semaphore, #tpu.memory_space<semaphore_mem>>
      %dma_start3A_329 = arith.constant 0 : i32
      %dma_start3A_330 = tpu.memref_slice %arg4[%add3A_234, %dma_start3A_329] : memref<6144x256xi32, #tpu.memory_space<hbm>> -> memref<16x256xi32, #tpu.memory_space<hbm>>
      %dma_start3A_331 = arith.constant 0 : i32
      %dma_start3A_332 = tpu.memref_slice %arg4[%add3A_234, %dma_start3A_331] : memref<6144x256xi32, #tpu.memory_space<hbm>> -> memref<16x256xi32, #tpu.memory_space<hbm>>
      tpu.enqueue_dma source(%arg9 : memref<16x256xi32, #tpu.memory_space<vmem>>) target(%dma_start3A_332 : memref<16x256xi32, #tpu.memory_space<hbm>>) target_semaphore(%run_scoped3A : memref<!tpu.dma_semaphore, #tpu.memory_space<semaphore_mem>>)
      %dma_wait3A_333 = arith.constant 0 : i32
      %dma_wait3A_334 = tpu.memref_slice %arg4[%add3A_234, %dma_wait3A_333] : memref<6144x256xi32, #tpu.memory_space<hbm>> -> memref<16x256xi32, #tpu.memory_space<hbm>>
      %dma_wait3A_335 = arith.constant 0 : i32
      %dma_wait3A_336 = tpu.memref_slice %arg4[%add3A_234, %dma_wait3A_335] : memref<6144x256xi32, #tpu.memory_space<hbm>> -> memref<16x256xi32, #tpu.memory_space<hbm>>
      tpu.wait_dma2 semaphore(%run_scoped3A : memref<!tpu.dma_semaphore, #tpu.memory_space<semaphore_mem>>) src(%arg9 : memref<16x256xi32, #tpu.memory_space<vmem>>) dst(%dma_wait3A_336 : memref<16x256xi32, #tpu.memory_space<hbm>>)
      tpu.yield
    }) : () -> ()
    %dma_start3A_235 = arith.constant 8 : i32
    %dma_start3A_236 = arith.constant 0 : i32
    %dma_start3A_237 = tpu.memref_slice %arg6[%dma_start3A_235, %dma_start3A_236] : memref<12x16xi32, #tpu.memory_space<vmem>> -> memref<1x16xi32, #tpu.memory_space<vmem>>
    %dma_start3A_238 = tpu.memref_squeeze %dma_start3A_237 : memref<1x16xi32, #tpu.memory_space<vmem>> -> memref<16xi32, #tpu.memory_space<vmem>>
    %dma_start3A_239 = arith.constant 0 : i32
    %dma_start3A_240 = arith.constant 0 : i32
    %dma_start3A_241 = tpu.memref_slice %arg3[%dma_start3A_239, %dma_start3A_240] : memref<12288x256xi32, #tpu.memory_space<hbm>> -> memref<12288x256xi32, #tpu.memory_space<hbm>>
    tpu.enqueue_indirect_dma source(%dma_start3A_241 : memref<12288x256xi32, #tpu.memory_space<hbm>>) target(%arg9 : memref<16x256xi32, #tpu.memory_space<vmem>>) offsets(%dma_start3A_238 : memref<16xi32, #tpu.memory_space<vmem>>) semaphore(%arg12 : memref<!tpu.dma_semaphore, #tpu.memory_space<semaphore_mem>>)
    %dma_wait3A_242 = arith.constant 6 : i32
    %dma_wait3A_243 = arith.constant 0 : i32
    %dma_wait3A_244 = tpu.memref_slice %arg6[%dma_wait3A_242, %dma_wait3A_243] : memref<12x16xi32, #tpu.memory_space<vmem>> -> memref<1x16xi32, #tpu.memory_space<vmem>>
    %dma_wait3A_245 = tpu.memref_squeeze %dma_wait3A_244 : memref<1x16xi32, #tpu.memory_space<vmem>> -> memref<16xi32, #tpu.memory_space<vmem>>
    %dma_wait3A_246 = arith.constant 0 : i32
    %dma_wait3A_247 = arith.constant 0 : i32
    %dma_wait3A_248 = tpu.memref_slice %arg3[%dma_wait3A_246, %dma_wait3A_247] : memref<12288x256xi32, #tpu.memory_space<hbm>> -> memref<12288x256xi32, #tpu.memory_space<hbm>>
    tpu.wait_indirect_dma semaphore(%arg10 : memref<!tpu.dma_semaphore, #tpu.memory_space<semaphore_mem>>) src(%dma_wait3A_248 : memref<12288x256xi32, #tpu.memory_space<hbm>>) dst(%arg7 : memref<16x256xi32, #tpu.memory_space<vmem>>)
    %add3A_249 = arith.constant 3072 : i32
    %add3A_250 = arith.addi %add3A_249, %mul3A_2 : i32
    %add3A_251 = arith.constant 0 : i32
    %add3A_252 = arith.addi %add3A_250, %add3A_251 : i32
    "tpu.region"() ({
      %run_scoped3A = tpu.sem_alloc : memref<!tpu.dma_semaphore, #tpu.memory_space<semaphore_mem>>
      %dma_start3A_329 = arith.constant 0 : i32
      %dma_start3A_330 = tpu.memref_slice %arg4[%add3A_252, %dma_start3A_329] : memref<6144x256xi32, #tpu.memory_space<hbm>> -> memref<16x256xi32, #tpu.memory_space<hbm>>
      %dma_start3A_331 = arith.constant 0 : i32
      %dma_start3A_332 = tpu.memref_slice %arg4[%add3A_252, %dma_start3A_331] : memref<6144x256xi32, #tpu.memory_space<hbm>> -> memref<16x256xi32, #tpu.memory_space<hbm>>
      tpu.enqueue_dma source(%arg7 : memref<16x256xi32, #tpu.memory_space<vmem>>) target(%dma_start3A_332 : memref<16x256xi32, #tpu.memory_space<hbm>>) target_semaphore(%run_scoped3A : memref<!tpu.dma_semaphore, #tpu.memory_space<semaphore_mem>>)
      %dma_wait3A_333 = arith.constant 0 : i32
      %dma_wait3A_334 = tpu.memref_slice %arg4[%add3A_252, %dma_wait3A_333] : memref<6144x256xi32, #tpu.memory_space<hbm>> -> memref<16x256xi32, #tpu.memory_space<hbm>>
      %dma_wait3A_335 = arith.constant 0 : i32
      %dma_wait3A_336 = tpu.memref_slice %arg4[%add3A_252, %dma_wait3A_335] : memref<6144x256xi32, #tpu.memory_space<hbm>> -> memref<16x256xi32, #tpu.memory_space<hbm>>
      tpu.wait_dma2 semaphore(%run_scoped3A : memref<!tpu.dma_semaphore, #tpu.memory_space<semaphore_mem>>) src(%arg7 : memref<16x256xi32, #tpu.memory_space<vmem>>) dst(%dma_wait3A_336 : memref<16x256xi32, #tpu.memory_space<hbm>>)
      tpu.yield
    }) : () -> ()
    %dma_start3A_253 = arith.constant 9 : i32
    %dma_start3A_254 = arith.constant 0 : i32
    %dma_start3A_255 = tpu.memref_slice %arg6[%dma_start3A_253, %dma_start3A_254] : memref<12x16xi32, #tpu.memory_space<vmem>> -> memref<1x16xi32, #tpu.memory_space<vmem>>
    %dma_start3A_256 = tpu.memref_squeeze %dma_start3A_255 : memref<1x16xi32, #tpu.memory_space<vmem>> -> memref<16xi32, #tpu.memory_space<vmem>>
    %dma_start3A_257 = arith.constant 0 : i32
    %dma_start3A_258 = arith.constant 0 : i32
    %dma_start3A_259 = tpu.memref_slice %arg3[%dma_start3A_257, %dma_start3A_258] : memref<12288x256xi32, #tpu.memory_space<hbm>> -> memref<12288x256xi32, #tpu.memory_space<hbm>>
    tpu.enqueue_indirect_dma source(%dma_start3A_259 : memref<12288x256xi32, #tpu.memory_space<hbm>>) target(%arg7 : memref<16x256xi32, #tpu.memory_space<vmem>>) offsets(%dma_start3A_256 : memref<16xi32, #tpu.memory_space<vmem>>) semaphore(%arg10 : memref<!tpu.dma_semaphore, #tpu.memory_space<semaphore_mem>>)
    %dma_wait3A_260 = arith.constant 7 : i32
    %dma_wait3A_261 = arith.constant 0 : i32
    %dma_wait3A_262 = tpu.memref_slice %arg6[%dma_wait3A_260, %dma_wait3A_261] : memref<12x16xi32, #tpu.memory_space<vmem>> -> memref<1x16xi32, #tpu.memory_space<vmem>>
    %dma_wait3A_263 = tpu.memref_squeeze %dma_wait3A_262 : memref<1x16xi32, #tpu.memory_space<vmem>> -> memref<16xi32, #tpu.memory_space<vmem>>
    %dma_wait3A_264 = arith.constant 0 : i32
    %dma_wait3A_265 = arith.constant 0 : i32
    %dma_wait3A_266 = tpu.memref_slice %arg3[%dma_wait3A_264, %dma_wait3A_265] : memref<12288x256xi32, #tpu.memory_space<hbm>> -> memref<12288x256xi32, #tpu.memory_space<hbm>>
    tpu.wait_indirect_dma semaphore(%arg11 : memref<!tpu.dma_semaphore, #tpu.memory_space<semaphore_mem>>) src(%dma_wait3A_266 : memref<12288x256xi32, #tpu.memory_space<hbm>>) dst(%arg8 : memref<16x256xi32, #tpu.memory_space<vmem>>)
    %add3A_267 = arith.constant 3072 : i32
    %add3A_268 = arith.addi %add3A_267, %mul3A_2 : i32
    %add3A_269 = arith.constant 16 : i32
    %add3A_270 = arith.addi %add3A_268, %add3A_269 : i32
    "tpu.region"() ({
      %run_scoped3A = tpu.sem_alloc : memref<!tpu.dma_semaphore, #tpu.memory_space<semaphore_mem>>
      %dma_start3A_329 = arith.constant 0 : i32
      %dma_start3A_330 = tpu.memref_slice %arg4[%add3A_270, %dma_start3A_329] : memref<6144x256xi32, #tpu.memory_space<hbm>> -> memref<16x256xi32, #tpu.memory_space<hbm>>
      %dma_start3A_331 = arith.constant 0 : i32
      %dma_start3A_332 = tpu.memref_slice %arg4[%add3A_270, %dma_start3A_331] : memref<6144x256xi32, #tpu.memory_space<hbm>> -> memref<16x256xi32, #tpu.memory_space<hbm>>
      tpu.enqueue_dma source(%arg8 : memref<16x256xi32, #tpu.memory_space<vmem>>) target(%dma_start3A_332 : memref<16x256xi32, #tpu.memory_space<hbm>>) target_semaphore(%run_scoped3A : memref<!tpu.dma_semaphore, #tpu.memory_space<semaphore_mem>>)
      %dma_wait3A_333 = arith.constant 0 : i32
      %dma_wait3A_334 = tpu.memref_slice %arg4[%add3A_270, %dma_wait3A_333] : memref<6144x256xi32, #tpu.memory_space<hbm>> -> memref<16x256xi32, #tpu.memory_space<hbm>>
      %dma_wait3A_335 = arith.constant 0 : i32
      %dma_wait3A_336 = tpu.memref_slice %arg4[%add3A_270, %dma_wait3A_335] : memref<6144x256xi32, #tpu.memory_space<hbm>> -> memref<16x256xi32, #tpu.memory_space<hbm>>
      tpu.wait_dma2 semaphore(%run_scoped3A : memref<!tpu.dma_semaphore, #tpu.memory_space<semaphore_mem>>) src(%arg8 : memref<16x256xi32, #tpu.memory_space<vmem>>) dst(%dma_wait3A_336 : memref<16x256xi32, #tpu.memory_space<hbm>>)
      tpu.yield
    }) : () -> ()
    %dma_start3A_271 = arith.constant 10 : i32
    %dma_start3A_272 = arith.constant 0 : i32
    %dma_start3A_273 = tpu.memref_slice %arg6[%dma_start3A_271, %dma_start3A_272] : memref<12x16xi32, #tpu.memory_space<vmem>> -> memref<1x16xi32, #tpu.memory_space<vmem>>
    %dma_start3A_274 = tpu.memref_squeeze %dma_start3A_273 : memref<1x16xi32, #tpu.memory_space<vmem>> -> memref<16xi32, #tpu.memory_space<vmem>>
    %dma_start3A_275 = arith.constant 0 : i32
    %dma_start3A_276 = arith.constant 0 : i32
    %dma_start3A_277 = tpu.memref_slice %arg3[%dma_start3A_275, %dma_start3A_276] : memref<12288x256xi32, #tpu.memory_space<hbm>> -> memref<12288x256xi32, #tpu.memory_space<hbm>>
    tpu.enqueue_indirect_dma source(%dma_start3A_277 : memref<12288x256xi32, #tpu.memory_space<hbm>>) target(%arg8 : memref<16x256xi32, #tpu.memory_space<vmem>>) offsets(%dma_start3A_274 : memref<16xi32, #tpu.memory_space<vmem>>) semaphore(%arg11 : memref<!tpu.dma_semaphore, #tpu.memory_space<semaphore_mem>>)
    %dma_wait3A_278 = arith.constant 8 : i32
    %dma_wait3A_279 = arith.constant 0 : i32
    %dma_wait3A_280 = tpu.memref_slice %arg6[%dma_wait3A_278, %dma_wait3A_279] : memref<12x16xi32, #tpu.memory_space<vmem>> -> memref<1x16xi32, #tpu.memory_space<vmem>>
    %dma_wait3A_281 = tpu.memref_squeeze %dma_wait3A_280 : memref<1x16xi32, #tpu.memory_space<vmem>> -> memref<16xi32, #tpu.memory_space<vmem>>
    %dma_wait3A_282 = arith.constant 0 : i32
    %dma_wait3A_283 = arith.constant 0 : i32
    %dma_wait3A_284 = tpu.memref_slice %arg3[%dma_wait3A_282, %dma_wait3A_283] : memref<12288x256xi32, #tpu.memory_space<hbm>> -> memref<12288x256xi32, #tpu.memory_space<hbm>>
    tpu.wait_indirect_dma semaphore(%arg12 : memref<!tpu.dma_semaphore, #tpu.memory_space<semaphore_mem>>) src(%dma_wait3A_284 : memref<12288x256xi32, #tpu.memory_space<hbm>>) dst(%arg9 : memref<16x256xi32, #tpu.memory_space<vmem>>)
    %add3A_285 = arith.constant 4096 : i32
    %add3A_286 = arith.addi %add3A_285, %mul3A_2 : i32
    %add3A_287 = arith.constant 0 : i32
    %add3A_288 = arith.addi %add3A_286, %add3A_287 : i32
    "tpu.region"() ({
      %run_scoped3A = tpu.sem_alloc : memref<!tpu.dma_semaphore, #tpu.memory_space<semaphore_mem>>
      %dma_start3A_329 = arith.constant 0 : i32
      %dma_start3A_330 = tpu.memref_slice %arg4[%add3A_288, %dma_start3A_329] : memref<6144x256xi32, #tpu.memory_space<hbm>> -> memref<16x256xi32, #tpu.memory_space<hbm>>
      %dma_start3A_331 = arith.constant 0 : i32
      %dma_start3A_332 = tpu.memref_slice %arg4[%add3A_288, %dma_start3A_331] : memref<6144x256xi32, #tpu.memory_space<hbm>> -> memref<16x256xi32, #tpu.memory_space<hbm>>
      tpu.enqueue_dma source(%arg9 : memref<16x256xi32, #tpu.memory_space<vmem>>) target(%dma_start3A_332 : memref<16x256xi32, #tpu.memory_space<hbm>>) target_semaphore(%run_scoped3A : memref<!tpu.dma_semaphore, #tpu.memory_space<semaphore_mem>>)
      %dma_wait3A_333 = arith.constant 0 : i32
      %dma_wait3A_334 = tpu.memref_slice %arg4[%add3A_288, %dma_wait3A_333] : memref<6144x256xi32, #tpu.memory_space<hbm>> -> memref<16x256xi32, #tpu.memory_space<hbm>>
      %dma_wait3A_335 = arith.constant 0 : i32
      %dma_wait3A_336 = tpu.memref_slice %arg4[%add3A_288, %dma_wait3A_335] : memref<6144x256xi32, #tpu.memory_space<hbm>> -> memref<16x256xi32, #tpu.memory_space<hbm>>
      tpu.wait_dma2 semaphore(%run_scoped3A : memref<!tpu.dma_semaphore, #tpu.memory_space<semaphore_mem>>) src(%arg9 : memref<16x256xi32, #tpu.memory_space<vmem>>) dst(%dma_wait3A_336 : memref<16x256xi32, #tpu.memory_space<hbm>>)
      tpu.yield
    }) : () -> ()
    %dma_start3A_289 = arith.constant 11 : i32
    %dma_start3A_290 = arith.constant 0 : i32
    %dma_start3A_291 = tpu.memref_slice %arg6[%dma_start3A_289, %dma_start3A_290] : memref<12x16xi32, #tpu.memory_space<vmem>> -> memref<1x16xi32, #tpu.memory_space<vmem>>
    %dma_start3A_292 = tpu.memref_squeeze %dma_start3A_291 : memref<1x16xi32, #tpu.memory_space<vmem>> -> memref<16xi32, #tpu.memory_space<vmem>>
    %dma_start3A_293 = arith.constant 0 : i32
    %dma_start3A_294 = arith.constant 0 : i32
    %dma_start3A_295 = tpu.memref_slice %arg3[%dma_start3A_293, %dma_start3A_294] : memref<12288x256xi32, #tpu.memory_space<hbm>> -> memref<12288x256xi32, #tpu.memory_space<hbm>>
    tpu.enqueue_indirect_dma source(%dma_start3A_295 : memref<12288x256xi32, #tpu.memory_space<hbm>>) target(%arg9 : memref<16x256xi32, #tpu.memory_space<vmem>>) offsets(%dma_start3A_292 : memref<16xi32, #tpu.memory_space<vmem>>) semaphore(%arg12 : memref<!tpu.dma_semaphore, #tpu.memory_space<semaphore_mem>>)
    %dma_wait3A_296 = arith.constant 9 : i32
    %dma_wait3A_297 = arith.constant 0 : i32
    %dma_wait3A_298 = tpu.memref_slice %arg6[%dma_wait3A_296, %dma_wait3A_297] : memref<12x16xi32, #tpu.memory_space<vmem>> -> memref<1x16xi32, #tpu.memory_space<vmem>>
    %dma_wait3A_299 = tpu.memref_squeeze %dma_wait3A_298 : memref<1x16xi32, #tpu.memory_space<vmem>> -> memref<16xi32, #tpu.memory_space<vmem>>
    %dma_wait3A_300 = arith.constant 0 : i32
    %dma_wait3A_301 = arith.constant 0 : i32
    %dma_wait3A_302 = tpu.memref_slice %arg3[%dma_wait3A_300, %dma_wait3A_301] : memref<12288x256xi32, #tpu.memory_space<hbm>> -> memref<12288x256xi32, #tpu.memory_space<hbm>>
    tpu.wait_indirect_dma semaphore(%arg10 : memref<!tpu.dma_semaphore, #tpu.memory_space<semaphore_mem>>) src(%dma_wait3A_302 : memref<12288x256xi32, #tpu.memory_space<hbm>>) dst(%arg7 : memref<16x256xi32, #tpu.memory_space<vmem>>)
    %add3A_303 = arith.constant 4096 : i32
    %add3A_304 = arith.addi %add3A_303, %mul3A_2 : i32
    %add3A_305 = arith.constant 16 : i32
    %add3A_306 = arith.addi %add3A_304, %add3A_305 : i32
    "tpu.region"() ({
      %run_scoped3A = tpu.sem_alloc : memref<!tpu.dma_semaphore, #tpu.memory_space<semaphore_mem>>
      %dma_start3A_329 = arith.constant 0 : i32
      %dma_start3A_330 = tpu.memref_slice %arg4[%add3A_306, %dma_start3A_329] : memref<6144x256xi32, #tpu.memory_space<hbm>> -> memref<16x256xi32, #tpu.memory_space<hbm>>
      %dma_start3A_331 = arith.constant 0 : i32
      %dma_start3A_332 = tpu.memref_slice %arg4[%add3A_306, %dma_start3A_331] : memref<6144x256xi32, #tpu.memory_space<hbm>> -> memref<16x256xi32, #tpu.memory_space<hbm>>
      tpu.enqueue_dma source(%arg7 : memref<16x256xi32, #tpu.memory_space<vmem>>) target(%dma_start3A_332 : memref<16x256xi32, #tpu.memory_space<hbm>>) target_semaphore(%run_scoped3A : memref<!tpu.dma_semaphore, #tpu.memory_space<semaphore_mem>>)
      %dma_wait3A_333 = arith.constant 0 : i32
      %dma_wait3A_334 = tpu.memref_slice %arg4[%add3A_306, %dma_wait3A_333] : memref<6144x256xi32, #tpu.memory_space<hbm>> -> memref<16x256xi32, #tpu.memory_space<hbm>>
      %dma_wait3A_335 = arith.constant 0 : i32
      %dma_wait3A_336 = tpu.memref_slice %arg4[%add3A_306, %dma_wait3A_335] : memref<6144x256xi32, #tpu.memory_space<hbm>> -> memref<16x256xi32, #tpu.memory_space<hbm>>
      tpu.wait_dma2 semaphore(%run_scoped3A : memref<!tpu.dma_semaphore, #tpu.memory_space<semaphore_mem>>) src(%arg7 : memref<16x256xi32, #tpu.memory_space<vmem>>) dst(%dma_wait3A_336 : memref<16x256xi32, #tpu.memory_space<hbm>>)
      tpu.yield
    }) : () -> ()
    %dma_wait3A_307 = arith.constant 10 : i32
    %dma_wait3A_308 = arith.constant 0 : i32
    %dma_wait3A_309 = tpu.memref_slice %arg6[%dma_wait3A_307, %dma_wait3A_308] : memref<12x16xi32, #tpu.memory_space<vmem>> -> memref<1x16xi32, #tpu.memory_space<vmem>>
    %dma_wait3A_310 = tpu.memref_squeeze %dma_wait3A_309 : memref<1x16xi32, #tpu.memory_space<vmem>> -> memref<16xi32, #tpu.memory_space<vmem>>
    %dma_wait3A_311 = arith.constant 0 : i32
    %dma_wait3A_312 = arith.constant 0 : i32
    %dma_wait3A_313 = tpu.memref_slice %arg3[%dma_wait3A_311, %dma_wait3A_312] : memref<12288x256xi32, #tpu.memory_space<hbm>> -> memref<12288x256xi32, #tpu.memory_space<hbm>>
    tpu.wait_indirect_dma semaphore(%arg11 : memref<!tpu.dma_semaphore, #tpu.memory_space<semaphore_mem>>) src(%dma_wait3A_313 : memref<12288x256xi32, #tpu.memory_space<hbm>>) dst(%arg8 : memref<16x256xi32, #tpu.memory_space<vmem>>)
    %add3A_314 = arith.constant 5120 : i32
    %add3A_315 = arith.addi %add3A_314, %mul3A_2 : i32
    %add3A_316 = arith.constant 0 : i32
    %add3A_317 = arith.addi %add3A_315, %add3A_316 : i32
    "tpu.region"() ({
      %run_scoped3A = tpu.sem_alloc : memref<!tpu.dma_semaphore, #tpu.memory_space<semaphore_mem>>
      %dma_start3A_329 = arith.constant 0 : i32
      %dma_start3A_330 = tpu.memref_slice %arg4[%add3A_317, %dma_start3A_329] : memref<6144x256xi32, #tpu.memory_space<hbm>> -> memref<16x256xi32, #tpu.memory_space<hbm>>
      %dma_start3A_331 = arith.constant 0 : i32
      %dma_start3A_332 = tpu.memref_slice %arg4[%add3A_317, %dma_start3A_331] : memref<6144x256xi32, #tpu.memory_space<hbm>> -> memref<16x256xi32, #tpu.memory_space<hbm>>
      tpu.enqueue_dma source(%arg8 : memref<16x256xi32, #tpu.memory_space<vmem>>) target(%dma_start3A_332 : memref<16x256xi32, #tpu.memory_space<hbm>>) target_semaphore(%run_scoped3A : memref<!tpu.dma_semaphore, #tpu.memory_space<semaphore_mem>>)
      %dma_wait3A_333 = arith.constant 0 : i32
      %dma_wait3A_334 = tpu.memref_slice %arg4[%add3A_317, %dma_wait3A_333] : memref<6144x256xi32, #tpu.memory_space<hbm>> -> memref<16x256xi32, #tpu.memory_space<hbm>>
      %dma_wait3A_335 = arith.constant 0 : i32
      %dma_wait3A_336 = tpu.memref_slice %arg4[%add3A_317, %dma_wait3A_335] : memref<6144x256xi32, #tpu.memory_space<hbm>> -> memref<16x256xi32, #tpu.memory_space<hbm>>
      tpu.wait_dma2 semaphore(%run_scoped3A : memref<!tpu.dma_semaphore, #tpu.memory_space<semaphore_mem>>) src(%arg8 : memref<16x256xi32, #tpu.memory_space<vmem>>) dst(%dma_wait3A_336 : memref<16x256xi32, #tpu.memory_space<hbm>>)
      tpu.yield
    }) : () -> ()
    %dma_wait3A_318 = arith.constant 11 : i32
    %dma_wait3A_319 = arith.constant 0 : i32
    %dma_wait3A_320 = tpu.memref_slice %arg6[%dma_wait3A_318, %dma_wait3A_319] : memref<12x16xi32, #tpu.memory_space<vmem>> -> memref<1x16xi32, #tpu.memory_space<vmem>>
    %dma_wait3A_321 = tpu.memref_squeeze %dma_wait3A_320 : memref<1x16xi32, #tpu.memory_space<vmem>> -> memref<16xi32, #tpu.memory_space<vmem>>
    %dma_wait3A_322 = arith.constant 0 : i32
    %dma_wait3A_323 = arith.constant 0 : i32
    %dma_wait3A_324 = tpu.memref_slice %arg3[%dma_wait3A_322, %dma_wait3A_323] : memref<12288x256xi32, #tpu.memory_space<hbm>> -> memref<12288x256xi32, #tpu.memory_space<hbm>>
    tpu.wait_indirect_dma semaphore(%arg12 : memref<!tpu.dma_semaphore, #tpu.memory_space<semaphore_mem>>) src(%dma_wait3A_324 : memref<12288x256xi32, #tpu.memory_space<hbm>>) dst(%arg9 : memref<16x256xi32, #tpu.memory_space<vmem>>)
    %add3A_325 = arith.constant 5120 : i32
    %add3A_326 = arith.addi %add3A_325, %mul3A_2 : i32
    %add3A_327 = arith.constant 16 : i32
    %add3A_328 = arith.addi %add3A_326, %add3A_327 : i32
    "tpu.region"() ({
      %run_scoped3A = tpu.sem_alloc : memref<!tpu.dma_semaphore, #tpu.memory_space<semaphore_mem>>
      %dma_start3A_329 = arith.constant 0 : i32
      %dma_start3A_330 = tpu.memref_slice %arg4[%add3A_328, %dma_start3A_329] : memref<6144x256xi32, #tpu.memory_space<hbm>> -> memref<16x256xi32, #tpu.memory_space<hbm>>
      %dma_start3A_331 = arith.constant 0 : i32
      %dma_start3A_332 = tpu.memref_slice %arg4[%add3A_328, %dma_start3A_331] : memref<6144x256xi32, #tpu.memory_space<hbm>> -> memref<16x256xi32, #tpu.memory_space<hbm>>
      tpu.enqueue_dma source(%arg9 : memref<16x256xi32, #tpu.memory_space<vmem>>) target(%dma_start3A_332 : memref<16x256xi32, #tpu.memory_space<hbm>>) target_semaphore(%run_scoped3A : memref<!tpu.dma_semaphore, #tpu.memory_space<semaphore_mem>>)
      %dma_wait3A_333 = arith.constant 0 : i32
      %dma_wait3A_334 = tpu.memref_slice %arg4[%add3A_328, %dma_wait3A_333] : memref<6144x256xi32, #tpu.memory_space<hbm>> -> memref<16x256xi32, #tpu.memory_space<hbm>>
      %dma_wait3A_335 = arith.constant 0 : i32
      %dma_wait3A_336 = tpu.memref_slice %arg4[%add3A_328, %dma_wait3A_335] : memref<6144x256xi32, #tpu.memory_space<hbm>> -> memref<16x256xi32, #tpu.memory_space<hbm>>
      tpu.wait_dma2 semaphore(%run_scoped3A : memref<!tpu.dma_semaphore, #tpu.memory_space<semaphore_mem>>) src(%arg9 : memref<16x256xi32, #tpu.memory_space<vmem>>) dst(%dma_wait3A_336 : memref<16x256xi32, #tpu.memory_space<hbm>>)
      tpu.yield
    }) : () -> ()
    return
  }
}

</mosaic_0001>

<sc_bundles>
// kernel: _sc_gather.3.cloned.1.call-start
scs
__scs_entry_jumppad:
0x0: {  	(pc) =	sbr.rel $0x88, $3  }
0x1: {  	(tag) =	ssettag $0x0;
	lr =	simm.s32 $0x1  }
0x2: {  	[smem:$0x3F9F] =	sst lr;
	_ =	strace $0xD0000000  }
0x3: {  	_ = 	snop  }
0x4: {  	_ = 	snop  }
0x5: {  	_ = 	snop  }
0x6: {  	_ = 	snop  }
0x7: {  	_ = 	snop  }
__scs_overlays_trampoline_lowered:
0x8: {  	[smem:$0x3FAE] =	sst s0  }
0x9: {  	[smem:$0x3FAF] =	sst s1  }
0xa: {  	[smem:$0x3FB0] =	sst s2  }
0xb: {  	[smem:$0x3FB1] =	sst s3  }
0xc: {  	[smem:$0x3FB2] =	sst s4  }
0xd: {  	[smem:$0x3FB3] =	sst s5  }
0xe: {  	[smem:$0x3FB4] =	sst s6  }
0xf: {  	[smem:$0x3FB5] =	sst s7  }
0x10: {  	[smem:$0x3FB6] =	sst s8  }
0x11: {  	[smem:$0x3FB7] =	sst s9;
	s0 =	simm.s32 @!p0 $0x0  }
0x12: {  	s1 =	sld [smem:$0x3F9D];
	s0 =	simm.s32 @p0 $0x1  }
0x13: {  	[smem:$0x3FB8] =	sst s0;
	s0 =	simm.s32 @!p1 $0x0  }
0x14: {  	s2 =	sld [smem:$0x3F9C];
	s0 =	simm.s32 @p1 $0x1  }
0x15: {  	[smem:$0x3FB9] =	sst s0;
	s0 =	simm.s32 @!p2 $0x0  }
0x16: {  	s3 =	sld [smem:$0x3FDB];
	s0 =	simm.s32 @p2 $0x1  }
0x17: {  	s4 =	simm.s32 $0x1BF5;
	[smem:$0x3FBB] =	sst s0  }
0x18: {  	s0 =	sld [smem:$0x3F9E];
	_ =	swait.ge [sflag:s4], $0x0  }
0x19: {  	s7 =	sld [smem:$0x3F9F]  }
0x1a: {  	s8 =	sadd.s32 $0xFFFFE003, lr  }
0x1b: {  	s9 =	sadd.s32 $0xFFFFFEF7, lr;
	s5 =	simm.s32 $0xFFFFFFFF;
	p2 =	slt.u32 s8, $0xFFFFF086  }
0x1c: {  	p1 =	slt.u32 s9, $0xF7A;
	s5 =	simm.s32 @!p2 $0x0  }
0x1d: {  	s5 =	simm.s32 @p1 $0x1;
	p0 =	seq.s32 s7, s2  }
0x1e: {  	s7 =	smul.u32 @!p0 $0xF7A, s2;
	p2 =	seq.s32 @!p0 s5, $0x0  }
0x1f: {  	s9 =	smul.u32 $0xF7A, s1;
	s8 =	simm.s32 @!p0 $0x1BF5;
	p2 =	por !p2, p0  }
0x20: {  	[sflag:s8] =	ssyncset.s32 @!p0 $0xFFFFF086;
	s6 =	sadd.s32 @!p0 s3, s7;
	s7 =	simm.s32 @!p0 $0x108  }
0x21: {  	s3 =	sadd.s32 s3, s9;
	s6 =	sadd.s32 @!p0 $0x88, s6;
	s7 =	simm.s32 @p2 $0x1082  }
0x22: {  	[simem:s7], [sflag:s8] =	dma.local @!p0 [hbm:s6], $0xF7A  }
0x23: {  	s9 =	sor.u32 $0xD0000000, s2;
	s6 =	simm.s32 $0x108;
	_ =	swait.ge @!p0 [sflag:s8], $0x0  }
0x24: {  	s3 =	sadd.s32 $0x88, s3;
	s6 =	simm.s32 @!p1 $0x1082;
	[sflag:s4] =	ssyncset.s32 $0xFFFFF086  }
0x25: {  	[simem:s6], [sflag:s4] =	dma.local [hbm:s3], $0xF7A  }
0x26: {  	[smem:$0x3F9F] =	sst s1;
	(tag) =	ssettag s2;
	_ =	strace s9  }
0x27: {  	s1 =	sld [smem:$0x3FAF]  }
0x28: {  	s2 =	sld [smem:$0x3FB0]  }
0x29: {  	s4 =	sld [smem:$0x3FB2]  }
0x2a: {  	p0 =	seq.s32 s5, $0x0;
	s5 =	sld [smem:$0x3FB3]  }
0x2b: {  	s6 =	sld [smem:$0x3FB4]  }
0x2c: {  	s7 =	sld [smem:$0x3FB5]  }
0x2d: {  	s3 =	simm.s32 $0x108;
	s8 =	sld [smem:$0x3FB6]  }
0x2e: {  	s3 =	simm.s32 @!p0 $0x1082;
	s9 =	sld [smem:$0x3FB7]  }
0x2f: {  	lr =	sadd.s32 s0, s3;
	s0 =	sld [smem:$0x3FAE]  }
0x30: {  	s3 =	sld [smem:$0x3FB1]  }
0x31: {  	[smem:$0x3FBA] =	sst s10  }
0x32: {  	s10 =	sld [smem:$0x3FB8];
	_ =	sdelay $0x3  }
0x33: {  	p0 =	seq.s32 s10, $0x1;
	s10 =	sld [smem:$0x3FBA];
	_ =	sdelay $0x3  }
0x34: {  	[smem:$0x3FBA] =	sst s10  }
0x35: {  	s10 =	sld [smem:$0x3FB9];
	_ =	sdelay $0x3  }
0x36: {  	p1 =	seq.s32 s10, $0x1;
	s10 =	sld [smem:$0x3FBA];
	_ =	sdelay $0x3  }
0x37: {  	[smem:$0x3FBA] =	sst s10  }
0x38: {  	s10 =	sld [smem:$0x3FBB]  }
0x39: {  	_ = 	snop;
	(pc) =	sbr.ind lr, $3  }
0x3a: {  	_ = 	snop  }
0x3b: {  	_ = 	snop  }
0x3c: {  	p2 =	seq.s32 s10, $0x1;
	s10 =	sld [smem:$0x3FBA]  }
0x3d: {  	_ =	shalt  }
0x3e: {  	_ =	shalt  }
0x3f: {  	_ =	shalt  }
0x40: {  	_ =	shalt  }
0x41: {  	_ =	shalt  }
0x42: {  	_ =	shalt  }
0x43: {  	_ =	shalt  }
0x44: {  	_ =	shalt  }
0x45: {  	_ =	shalt  }
0x46: {  	_ =	shalt  }
0x47: {  	_ =	shalt  }
0x48: {  	_ =	shalt  }
0x49: {  	_ =	shalt  }
0x4a: {  	_ =	shalt  }
0x4b: {  	_ =	shalt  }
0x4c: {  	_ =	shalt  }
0x4d: {  	_ =	shalt  }
0x4e: {  	_ =	shalt  }
0x4f: {  	_ =	shalt  }
0x50: {  	_ =	shalt  }
0x51: {  	_ =	shalt  }
0x52: {  	_ =	shalt  }
0x53: {  	_ =	shalt  }
0x54: {  	_ =	shalt  }
0x55: {  	_ =	shalt  }
0x56: {  	_ =	shalt  }
0x57: {  	_ =	shalt  }
0x58: {  	_ =	shalt  }
0x59: {  	_ =	shalt  }
0x5a: {  	_ =	shalt  }
0x5b: {  	_ =	shalt  }
0x5c: {  	_ =	shalt  }
0x5d: {  	_ =	shalt  }
0x5e: {  	_ =	shalt  }
0x5f: {  	_ =	shalt  }
0x60: {  	_ =	shalt  }
0x61: {  	_ =	shalt  }
0x62: {  	_ =	shalt  }
0x63: {  	_ =	shalt  }
0x64: {  	_ =	shalt  }
0x65: {  	_ =	shalt  }
0x66: {  	_ =	shalt  }
0x67: {  	_ =	shalt  }
0x68: {  	_ =	shalt  }
0x69: {  	_ =	shalt  }
0x6a: {  	_ =	shalt  }
0x6b: {  	_ =	shalt  }
0x6c: {  	_ =	shalt  }
0x6d: {  	_ =	shalt  }
0x6e: {  	_ =	shalt  }
0x6f: {  	_ =	shalt  }
0x70: {  	_ =	shalt  }
0x71: {  	_ =	shalt  }
0x72: {  	_ =	shalt  }
0x73: {  	_ =	shalt  }
0x74: {  	_ =	shalt  }
0x75: {  	_ =	shalt  }
0x76: {  	_ =	shalt  }
0x77: {  	_ =	shalt  }
0x78: {  	_ =	shalt  }
0x79: {  	_ =	shalt  }
0x7a: {  	_ =	shalt  }
0x7b: {  	_ =	shalt  }
0x7c: {  	_ =	shalt  }
0x7d: {  	_ =	shalt  }
0x7e: {  	_ =	shalt  }
0x7f: {  	_ =	shalt  }
0x80: {  	_ =	shalt  }
0x81: {  	_ =	shalt  }
0x82: {  	_ =	shalt  }
0x83: {  	_ =	shalt  }
0x84: {  	_ =	shalt  }
0x85: {  	_ =	shalt  }
0x86: {  	_ =	shalt  }
0x87: {  	_ =	shalt  }
.Lfunc_end0:
.L_simem_size_0:
called_computation_lowered:
.L_overlay_start_0:
0x88: {  	s2 =	sld [smem:$0x3FD9]  }
0x89: {  	s3 =	sld [smem:$0x3FFE];
	_ =	sdelay $0x1  }
0x8a: {  	s1 =	srdreg.scid  }
0x8b: {  	s0 =	sand.u32 $0x1, s1  }
0x8c: {  	s18 =	sshll.u32 s0, $0xA;
	s2 =	sadd.s32 s3, s2  }
0x8d: {  	s2 =	sadd.s32 s2, s18  }
0x8e: {  	[smem:$0x3FC6] =	sst s2  }
0x8f: {  	_ = 	snop  }
0x90: {  	s2 =	sld [smem:$0x3FC9]  }
0x91: {  	s19 =	sld [smem:$0x3FC8]  }
0x92: {  	s4 =	sld [smem:$0x3FD0];
	(tm) =	ssettm $0x1  }
0x93: {  	s5 =	sld [smem:$0x3FFB];
	_ =	sdelay $0x3  }
0x94: {  	_ =	strace s5  }
0x95: {  	s5 =	sld [smem:$0x3FFC];
	_ =	sdelay $0x3  }
0x96: {  	_ =	strace s5  }
0x97: {  	s5 =	sld [smem:$0x3FFD];
	_ =	sdelay $0x3  }
0x98: {  	_ =	strace s5  }
0x99: {  	_ =	strace $0x8FFFFFFF  }
0x9a: {  	s20 =	sld [smem:$0x3FDB];
	_ =	sdelay $0x1  }
0x9b: {  	s6 =	simm.s32 $_scs_section_size  }
0x9c: {  	s7 =	simm.s32 $_size__tile_overlayer_lowered;
	s8 =	simm.s32 $_tile_overlayer_lowered  }
0x9d: {  	s23 =	simm.s32 $0x1BFF;
	s22 =	sshll.u32 s8, $0x1;
	s5 =	sadd.s32 s6, s20  }
0x9e: {  	s9 =	simm.s32 $0x0;
	s21 =	sshll.u32 s7, $0x1;
	s7 =	sadd.s32 s22, s5  }
0x9f: {  	[timem:s9], [sflag:s23] =	dma.local [hbm:s7], s21  }
0xa0: {  	_ =	swait.ge [sflag:s23], s21  }
0xa1: {  	s6 =	ssub.s32 $0x0, s21;
	[sflag:s23] =	ssyncset.done $0x0  }
0xa2: {  	[sflag:s23] =	ssyncadd.s32 s6;
	_ =	sdelay $0x1  }
0xa3: {  	s24 =	simm.s32 $0x1B8B  }
0xa4: {  	_ =	swait.ge [sflag:s24], $0x1  }
0xa5: {  	[sflag:s24] =	ssyncset.done $0x0  }
0xa6: {  	s25 =	simm.s32 $0x1B8E;
	[sflag:s24] =	ssyncadd.s32 $0xFFFFFFFF  }
0xa7: {  	s26 =	simm.s32 $execute0_lowered;
	[smem:$0x3FD2] =	sst s25  }
0xa8: {  	s6 =	sshll.u32 s26, $0x1;
	_ =	strace $0x80000046;
	[dreg:$0x1] =	wrdreg $0xFFFFFFFF  }
0xa9: {  	s28 =	simm.s32 $_size_execute0_lowered;
	s5 =	sadd.s32 s5, s6;
	[dreg:$0x0] =	wrdreg $0x0  }
0xaa: {  	s6 =	sshll.u32 s28, $0x1;
	[dreg:$0x2] =	wrdreg s5  }
0xab: {  	[dreg:$0x3] =	wrdreg s6  }
0xac: {  	[dreg:$0x4] =	wrdreg $0xC0  }
0xad: {  	_ =	task [dreg:s9], $0x5FFFF  }
0xae: {  	[dreg:$0x1] =	wrdreg $0xFFFFFFFF  }
0xaf: {  	[dreg:$0x0] =	wrdreg $0x60  }
0xb0: {  	[dreg:$0x2] =	wrdreg s2  }
0xb1: {  	[dreg:$0x3] =	wrdreg s19  }
0xb2: {  	[dreg:$0x4] =	wrdreg s4  }
0xb3: {  	[dreg:$0x5] =	wrdreg $0x9  }
0xb4: {  	_ =	task.clear_ibuf [dreg:s9], $0x6FFFF;
	_ =	strace $0x90000046  }
0xb5: {  	s29 =	simm.s32 $0x9;
	_ =	strace $0x80000048  }
0xb6: {  	_ =	swait.ge [sflag:s29], $0x1  }
0xb7: {  	[sflag:s29] =	ssyncadd.s32 $0xFFFFFFFF  }
0xb8: {  	_ =	strace $0x90000048  }
0xb9: {  	_ =	sfence  }
0xba: {  	s30 =	sld [smem:$0x0];
	_ =	sdelay $0x2  }
0xbb: {  	s31 =	sshll.u32 s1, $0xD;
	s1 =	sshrl.u32 s1, $0x2  }
0xbc: {  	s3 =	sand.u32 $0x4000, s31;
	s1 =	sadd.s32 s1, s30  }
0xbd: {  	s0 =	sor.u32 s3, s0;
	s1 =	sshll.u32 s1, $0x11  }
0xbe: {  	s0 =	sor.u32 s1, s0  }
0xbf: {  	s0 =	sadd.s32 $0x8F2B, s0  }
0xc0: {  	[sflag:s0] =	ssyncadd.remote.s32 $0x1  }
0xc1: {  	_ =	sfence.sel $0xFFFF  }
0xc2: {  	[dreg:$0x0] =	wrdreg $0xFFFFFFFF;
	(pc) =	sbr.abs _section_cstart, $3  }
0xc3: {  	[dreg:$0x1] =	wrdreg $0xFFFFFFFF  }
0xc4: {  	_ =	task.clear_ibuf [dreg:s9], $0x2FFFF;
	_ =	strace $0x9FFFFFFF  }
0xc5: {  	(tm) =	ssettm $0x7FFFFFFF  }
tec
execute0_lowered:
.L_overlay_start_1:
0x0: {  	(tag) =	ssettag $0x1  }
0x1: {  	s5 =	rddreg [dreg:$0x0]  }
0x2: {  	s2 =	rddreg [dreg:$0x1]  }
0x3: {  	s4 =	rddreg [dreg:$0x2];
	s3 =	srdreg.scid  }
0x4: {  	s0 =	rddreg [dreg:$0x3];
	s1 =	stileid.u32  }
0x5: {  	s18 =	simm.s32 $0x4;
	s19 =	simm.s32 $0x880;
	s20 =	simm.s32 $0x1080  }
0x6: {  	s21 =	simm.s32 $0x1880;
	s22 =	simm.s32 $0x2080;
	s23 =	simm.s32 $0x2880  }
0x7: {  	s24 =	simm.s32 $0x3080;
	s25 =	simm.s32 $0x1;
	s26 =	simm.s32 $0x2  }
0x8: {  	s28 =	simm.s32 $0x3;
	s6 =	sand.u32 $0x1, s3;
	s3 =	simm.s32 $0x0  }
0x9: {  	s7 =	sshll.u32 s1, $0x6;
	s8 =	sshll.u32 s6, $0x5;
	[smem:$0x7FF] =	sst s3  }
0xa: {  	s6 =	ssub.s32 $0x2, s6;
	s7 =	sor.u32 s8, s7;
	_ =	strace $0x80000047  }
0xb: {  	s9 =	sshrl.u32 s6, $0x1;
	s8 =	sshll.u32 s7, $0x5;
	s7 =	sshrl.u32 s7, $0x3  }
0xc: {  	s17 =	ssub.s32 s6, s9;
	s4 =	sadd.s32 s4, s8;
	s5 =	sadd.s32 s5, s7  }
0xd: {  	s17 =	smax.u32 s17, $0x1;
	s6 =	sadd.s32 $0x200, s4;
	s7 =	sadd.s32 $0x8000, s4  }
0xe: {  	v2 =	vlaneseq.u32;
	s8 =	sadd.s32 $0x8200, s4;
	s9 =	sadd.s32 $0x10000, s4;
	s10 =	sadd.s32 $0x10200, s4  }
0xf: {  	vm0 =	vmmov $0xffff;
	v1 =	vshrl.u32 v2, $0x3;
	s11 =	sadd.s32 $0x18000, s4;
	s12 =	sadd.s32 $0x18200, s4;
	s13 =	sadd.s32 $0x20000, s4  }
0x10: {  	v0 =	vand.u32 $0x7, v2;
	v2 =	vor.u32 $0x8, v2;
	v1 =	vmul.u32 $0x8, v1;
	s14 =	sadd.s32 $0x20200, s4;
	s15 =	sadd.s32 $0x28000, s4;
	s16 =	sadd.s32 $0x28200, s4  }
.LBB2_1:
0x11: {  	[tilespmem:s3], [sflag:$0x4] =	stream.linear.gather [hbm4b:s5+s3], $0x20, $0x38;
	[tilespmem:$0x3880] =	vst v63  }
0x12: {  	_ =	swait.ge [sflag:s18], $0x20  }
0x13: {  	[sflag:s18] =	ssyncset.done $0x0  }
0x14: {  	[sflag:s18] =	ssyncadd.s32 $0xFFFFFFE0  }
0x15: {  	v3 =	vld [tilespmem:$0x0]  }
0x16: {  	v4 =	vld [tilespmem:$0x10];
	_ =	sdelay $0x3  }
0x17: {  	[tilespmem:$0x80] =	vst v3  }
0x18: {  	v5 =	vadd.s32 $0x800, v3;
	[tilespmem:$0x100] =	vst v4  }
0x19: {  	v45 =	vadd.s32 $0x800, v4;
	v6 =	vshll.u32 v3, $0x1;
	[tilespmem:$0x180] =	vst v5  }
0x1a: {  	v46 =	vadd.s32 $0x1000, v3;
	v7 =	vand.u32 $0x7, v3;
	[tilespmem:$0x200] =	vst v45;
	v6 =	vand.u32 $0xFFFFFFF0, v6  }
0x1b: {  	v47 =	vadd.s32 $0x1000, v4;
	[tilespmem:$0x280] =	vst v46;
	v6 =	vor.u32 v7, v6  }
0x1c: {  	v48 =	vadd.s32 $0x1800, v3;
	[tilespmem:$0x300] =	vst v47;
	v7 =	vperm.xlane v6, v0  }
0x1d: {  	v49 =	vadd.s32 $0x1800, v4;
	[tilespmem:$0x380] =	vst v48  }
0x1e: {  	v50 =	vadd.s32 $0x2000, v3;
	[tilespmem:$0x400] =	vst v49;
	v6 =	vperm.xlane v6, v2;
	v52 =	vadd.s32 v1, v7  }
0x1f: {  	v3 =	vadd.s32 $0x2800, v3;
	[tilespmem:$0x480] =	vst v50  }
0x20: {  	v51 =	vadd.s32 $0x2000, v4;
	[tilespmem:$0x580] =	vst v3;
	v3 =	vadd.s32 v1, v6  }
0x21: {  	v4 =	vadd.s32 $0x2800, v4;
	[tilespmem:$0x500] =	vst v51  }
0x22: {  	[tilespmem:$0x600] =	vst v4  }
0x23: {  	[tilespmem:s19], [sflag:$0x1] =	stream.indirect_vreg.gather [hbm4b:s2+s3], $0x80, v52, vm0, $0xb8;
	[tilespmem:$0x3880] =	vst v63  }
0x24: {  	_ = 	snop  }
0x25: {  	[tilespmem:s20], [sflag:$0x1] =	stream.indirect_vreg.gather [hbm4b:s2+s3], $0x80, v3, vm0, $0xb8;
	[tilespmem:$0x3880] =	vst v63  }
0x26: {  	v3 =	vld [tilespmem:$0x100];
	_ =	sdelay $0x4  }
0x27: {  	v53 =	vshll.u32 v3, $0x1  }
0x28: {  	v3 =	vand.u32 $0x7, v3;
	v4 =	vand.u32 $0xFFFFFFF0, v53  }
0x29: {  	v3 =	vor.u32 v3, v4  }
0x2a: {  	v4 =	vperm.xlane v3, v0;
	_ =	sdelay $0x1  }
0x2b: {  	v3 =	vperm.xlane v3, v2;
	v4 =	vadd.s32 v1, v4;
	_ =	sdelay $0x1  }
0x2c: {  	v3 =	vadd.s32 v1, v3;
	_ =	sdelay $0x2  }
0x2d: {  	[tilespmem:s21], [sflag:$0x2] =	stream.indirect_vreg.gather [hbm4b:s2+s3], $0x80, v4, vm0, $0xb8;
	[tilespmem:$0x3880] =	vst v63  }
0x2e: {  	_ = 	snop  }
0x2f: {  	[tilespmem:s22], [sflag:$0x2] =	stream.indirect_vreg.gather [hbm4b:s2+s3], $0x80, v3, vm0, $0xb8;
	[tilespmem:$0x3880] =	vst v63  }
0x30: {  	v3 =	vld [tilespmem:$0x180];
	_ =	sdelay $0x4  }
0x31: {  	v54 =	vshll.u32 v3, $0x1  }
0x32: {  	v3 =	vand.u32 $0x7, v3;
	v4 =	vand.u32 $0xFFFFFFF0, v54  }
0x33: {  	v3 =	vor.u32 v3, v4  }
0x34: {  	v4 =	vperm.xlane v3, v0;
	_ =	sdelay $0x1  }
0x35: {  	v3 =	vperm.xlane v3, v2;
	v4 =	vadd.s32 v1, v4;
	_ =	sdelay $0x1  }
0x36: {  	v3 =	vadd.s32 v1, v3;
	_ =	sdelay $0x2  }
0x37: {  	[tilespmem:s23], [sflag:$0x3] =	stream.indirect_vreg.gather [hbm4b:s2+s3], $0x80, v4, vm0, $0xb8;
	[tilespmem:$0x3880] =	vst v63  }
0x38: {  	_ = 	snop  }
0x39: {  	[tilespmem:s24], [sflag:$0x3] =	stream.indirect_vreg.gather [hbm4b:s2+s3], $0x80, v3, vm0, $0xb8;
	[tilespmem:$0x3880] =	vst v63  }
0x3a: {  	_ =	swait.ge [sflag:s25], $0x1000  }
0x3b: {  	[sflag:s25] =	ssyncset.done $0x0  }
0x3c: {  	[sflag:s25] =	ssyncadd.s32 $0xFFFFF000  }
0x3d: {  	[hbm4b:s4+s3] =	stream.linear.scatter [tilespmem:s19], [sflag:$0x4], $0x1000, $0x38;
	[tilespmem:$0x3880] =	vst v63  }
0x3e: {  	_ =	swait.ge [sflag:s18], $0x1000  }
0x3f: {  	[sflag:s18] =	ssyncset.done $0x0  }
0x40: {  	[sflag:s18] =	ssyncadd.s32 $0xFFFFF000  }
0x41: {  	v3 =	vld [tilespmem:$0x200];
	_ =	sdelay $0x4  }
0x42: {  	v55 =	vshll.u32 v3, $0x1  }
0x43: {  	v3 =	vand.u32 $0x7, v3;
	v4 =	vand.u32 $0xFFFFFFF0, v55  }
0x44: {  	v3 =	vor.u32 v3, v4  }
0x45: {  	v4 =	vperm.xlane v3, v0;
	_ =	sdelay $0x1  }
0x46: {  	v3 =	vperm.xlane v3, v2;
	v4 =	vadd.s32 v1, v4;
	_ =	sdelay $0x1  }
0x47: {  	v3 =	vadd.s32 v1, v3;
	_ =	sdelay $0x2  }
0x48: {  	[tilespmem:s19], [sflag:$0x1] =	stream.indirect_vreg.gather [hbm4b:s2+s3], $0x80, v4, vm0, $0xb8;
	[tilespmem:$0x3880] =	vst v63  }
0x49: {  	_ = 	snop  }
0x4a: {  	[tilespmem:s20], [sflag:$0x1] =	stream.indirect_vreg.gather [hbm4b:s2+s3], $0x80, v3, vm0, $0xb8;
	[tilespmem:$0x3880] =	vst v63  }
0x4b: {  	_ =	swait.ge [sflag:s26], $0x1000  }
0x4c: {  	[sflag:s26] =	ssyncset.done $0x0  }
0x4d: {  	[sflag:s26] =	ssyncadd.s32 $0xFFFFF000  }
0x4e: {  	[hbm4b:s6+s3] =	stream.linear.scatter [tilespmem:s21], [sflag:$0x4], $0x1000, $0x38;
	[tilespmem:$0x3880] =	vst v63  }
0x4f: {  	_ =	swait.ge [sflag:s18], $0x1000  }
0x50: {  	[sflag:s18] =	ssyncset.done $0x0  }
0x51: {  	[sflag:s18] =	ssyncadd.s32 $0xFFFFF000  }
0x52: {  	v3 =	vld [tilespmem:$0x280];
	_ =	sdelay $0x4  }
0x53: {  	v56 =	vshll.u32 v3, $0x1  }
0x54: {  	v3 =	vand.u32 $0x7, v3;
	v4 =	vand.u32 $0xFFFFFFF0, v56  }
0x55: {  	v3 =	vor.u32 v3, v4  }
0x56: {  	v4 =	vperm.xlane v3, v0;
	_ =	sdelay $0x1  }
0x57: {  	v3 =	vperm.xlane v3, v2;
	v4 =	vadd.s32 v1, v4;
	_ =	sdelay $0x1  }
0x58: {  	v3 =	vadd.s32 v1, v3;
	_ =	sdelay $0x2  }
0x59: {  	[tilespmem:s21], [sflag:$0x2] =	stream.indirect_vreg.gather [hbm4b:s2+s3], $0x80, v4, vm0, $0xb8;
	[tilespmem:$0x3880] =	vst v63  }
0x5a: {  	_ = 	snop  }
0x5b: {  	[tilespmem:s22], [sflag:$0x2] =	stream.indirect_vreg.gather [hbm4b:s2+s3], $0x80, v3, vm0, $0xb8;
	[tilespmem:$0x3880] =	vst v63  }
0x5c: {  	_ =	swait.ge [sflag:s28], $0x1000  }
0x5d: {  	[sflag:s28] =	ssyncset.done $0x0  }
0x5e: {  	[sflag:s28] =	ssyncadd.s32 $0xFFFFF000  }
0x5f: {  	[hbm4b:s7+s3] =	stream.linear.scatter [tilespmem:s23], [sflag:$0x4], $0x1000, $0x38;
	[tilespmem:$0x3880] =	vst v63  }
0x60: {  	_ =	swait.ge [sflag:s18], $0x1000  }
0x61: {  	[sflag:s18] =	ssyncset.done $0x0  }
0x62: {  	[sflag:s18] =	ssyncadd.s32 $0xFFFFF000  }
0x63: {  	v3 =	vld [tilespmem:$0x300];
	_ =	sdelay $0x4  }
0x64: {  	v57 =	vshll.u32 v3, $0x1  }
0x65: {  	v3 =	vand.u32 $0x7, v3;
	v4 =	vand.u32 $0xFFFFFFF0, v57  }
0x66: {  	v3 =	vor.u32 v3, v4  }
0x67: {  	v4 =	vperm.xlane v3, v0;
	_ =	sdelay $0x1  }
0x68: {  	v3 =	vperm.xlane v3, v2;
	v4 =	vadd.s32 v1, v4;
	_ =	sdelay $0x1  }
0x69: {  	v3 =	vadd.s32 v1, v3;
	_ =	sdelay $0x2  }
0x6a: {  	[tilespmem:s23], [sflag:$0x3] =	stream.indirect_vreg.gather [hbm4b:s2+s3], $0x80, v4, vm0, $0xb8;
	[tilespmem:$0x3880] =	vst v63  }
0x6b: {  	_ = 	snop  }
0x6c: {  	[tilespmem:s24], [sflag:$0x3] =	stream.indirect_vreg.gather [hbm4b:s2+s3], $0x80, v3, vm0, $0xb8;
	[tilespmem:$0x3880] =	vst v63  }
0x6d: {  	_ =	swait.ge [sflag:s25], $0x1000  }
0x6e: {  	[sflag:s25] =	ssyncset.done $0x0  }
0x6f: {  	[sflag:s25] =	ssyncadd.s32 $0xFFFFF000  }
0x70: {  	[hbm4b:s8+s3] =	stream.linear.scatter [tilespmem:s19], [sflag:$0x4], $0x1000, $0x38;
	[tilespmem:$0x3880] =	vst v63  }
0x71: {  	_ =	swait.ge [sflag:s18], $0x1000  }
0x72: {  	[sflag:s18] =	ssyncset.done $0x0  }
0x73: {  	[sflag:s18] =	ssyncadd.s32 $0xFFFFF000  }
0x74: {  	v3 =	vld [tilespmem:$0x380];
	_ =	sdelay $0x4  }
0x75: {  	v58 =	vshll.u32 v3, $0x1  }
0x76: {  	v3 =	vand.u32 $0x7, v3;
	v4 =	vand.u32 $0xFFFFFFF0, v58  }
0x77: {  	v3 =	vor.u32 v3, v4  }
0x78: {  	v4 =	vperm.xlane v3, v0;
	_ =	sdelay $0x1  }
0x79: {  	v3 =	vperm.xlane v3, v2;
	v4 =	vadd.s32 v1, v4;
	_ =	sdelay $0x1  }
0x7a: {  	v3 =	vadd.s32 v1, v3;
	_ =	sdelay $0x2  }
0x7b: {  	[tilespmem:s19], [sflag:$0x1] =	stream.indirect_vreg.gather [hbm4b:s2+s3], $0x80, v4, vm0, $0xb8;
	[tilespmem:$0x3880] =	vst v63  }
0x7c: {  	_ = 	snop  }
0x7d: {  	[tilespmem:s20], [sflag:$0x1] =	stream.indirect_vreg.gather [hbm4b:s2+s3], $0x80, v3, vm0, $0xb8;
	[tilespmem:$0x3880] =	vst v63  }
0x7e: {  	_ =	swait.ge [sflag:s26], $0x1000  }
0x7f: {  	[sflag:s26] =	ssyncset.done $0x0  }
0x80: {  	[sflag:s26] =	ssyncadd.s32 $0xFFFFF000  }
0x81: {  	[hbm4b:s9+s3] =	stream.linear.scatter [tilespmem:s21], [sflag:$0x4], $0x1000, $0x38;
	[tilespmem:$0x3880] =	vst v63  }
0x82: {  	_ =	swait.ge [sflag:s18], $0x1000  }
0x83: {  	[sflag:s18] =	ssyncset.done $0x0  }
0x84: {  	[sflag:s18] =	ssyncadd.s32 $0xFFFFF000  }
0x85: {  	v3 =	vld [tilespmem:$0x400];
	_ =	sdelay $0x4  }
0x86: {  	v59 =	vshll.u32 v3, $0x1  }
0x87: {  	v3 =	vand.u32 $0x7, v3;
	v4 =	vand.u32 $0xFFFFFFF0, v59  }
0x88: {  	v3 =	vor.u32 v3, v4  }
0x89: {  	v4 =	vperm.xlane v3, v0;
	_ =	sdelay $0x1  }
0x8a: {  	v3 =	vperm.xlane v3, v2;
	v4 =	vadd.s32 v1, v4;
	_ =	sdelay $0x1  }
0x8b: {  	v3 =	vadd.s32 v1, v3;
	_ =	sdelay $0x2  }
0x8c: {  	[tilespmem:s21], [sflag:$0x2] =	stream.indirect_vreg.gather [hbm4b:s2+s3], $0x80, v4, vm0, $0xb8;
	[tilespmem:$0x3880] =	vst v63  }
0x8d: {  	_ = 	snop  }
0x8e: {  	[tilespmem:s22], [sflag:$0x2] =	stream.indirect_vreg.gather [hbm4b:s2+s3], $0x80, v3, vm0, $0xb8;
	[tilespmem:$0x3880] =	vst v63  }
0x8f: {  	_ =	swait.ge [sflag:s28], $0x1000  }
0x90: {  	[sflag:s28] =	ssyncset.done $0x0  }
0x91: {  	[sflag:s28] =	ssyncadd.s32 $0xFFFFF000  }
0x92: {  	[hbm4b:s10+s3] =	stream.linear.scatter [tilespmem:s23], [sflag:$0x4], $0x1000, $0x38;
	[tilespmem:$0x3880] =	vst v63  }
0x93: {  	_ =	swait.ge [sflag:s18], $0x1000  }
0x94: {  	[sflag:s18] =	ssyncset.done $0x0  }
0x95: {  	[sflag:s18] =	ssyncadd.s32 $0xFFFFF000  }
0x96: {  	v3 =	vld [tilespmem:$0x480];
	_ =	sdelay $0x4  }
0x97: {  	v60 =	vshll.u32 v3, $0x1  }
0x98: {  	v3 =	vand.u32 $0x7, v3;
	v4 =	vand.u32 $0xFFFFFFF0, v60  }
0x99: {  	v3 =	vor.u32 v3, v4  }
0x9a: {  	v4 =	vperm.xlane v3, v0;
	_ =	sdelay $0x1  }
0x9b: {  	v3 =	vperm.xlane v3, v2;
	v4 =	vadd.s32 v1, v4;
	_ =	sdelay $0x1  }
0x9c: {  	v3 =	vadd.s32 v1, v3;
	_ =	sdelay $0x2  }
0x9d: {  	[tilespmem:s23], [sflag:$0x3] =	stream.indirect_vreg.gather [hbm4b:s2+s3], $0x80, v4, vm0, $0xb8;
	[tilespmem:$0x3880] =	vst v63  }
0x9e: {  	_ = 	snop  }
0x9f: {  	[tilespmem:s24], [sflag:$0x3] =	stream.indirect_vreg.gather [hbm4b:s2+s3], $0x80, v3, vm0, $0xb8;
	[tilespmem:$0x3880] =	vst v63  }
0xa0: {  	_ =	swait.ge [sflag:s25], $0x1000  }
0xa1: {  	[sflag:s25] =	ssyncset.done $0x0  }
0xa2: {  	[sflag:s25] =	ssyncadd.s32 $0xFFFFF000  }
0xa3: {  	[hbm4b:s11+s3] =	stream.linear.scatter [tilespmem:s19], [sflag:$0x4], $0x1000, $0x38;
	[tilespmem:$0x3880] =	vst v63  }
0xa4: {  	_ =	swait.ge [sflag:s18], $0x1000  }
0xa5: {  	[sflag:s18] =	ssyncset.done $0x0  }
0xa6: {  	[sflag:s18] =	ssyncadd.s32 $0xFFFFF000  }
0xa7: {  	v3 =	vld [tilespmem:$0x500];
	_ =	sdelay $0x4  }
0xa8: {  	v61 =	vshll.u32 v3, $0x1  }
0xa9: {  	v3 =	vand.u32 $0x7, v3;
	v4 =	vand.u32 $0xFFFFFFF0, v61  }
0xaa: {  	v3 =	vor.u32 v3, v4  }
0xab: {  	v4 =	vperm.xlane v3, v0;
	_ =	sdelay $0x1  }
0xac: {  	v3 =	vperm.xlane v3, v2;
	v4 =	vadd.s32 v1, v4;
	_ =	sdelay $0x1  }
0xad: {  	v3 =	vadd.s32 v1, v3;
	_ =	sdelay $0x2  }
0xae: {  	[tilespmem:s19], [sflag:$0x1] =	stream.indirect_vreg.gather [hbm4b:s2+s3], $0x80, v4, vm0, $0xb8;
	[tilespmem:$0x3880] =	vst v63  }
0xaf: {  	_ = 	snop  }
0xb0: {  	[tilespmem:s20], [sflag:$0x1] =	stream.indirect_vreg.gather [hbm4b:s2+s3], $0x80, v3, vm0, $0xb8;
	[tilespmem:$0x3880] =	vst v63  }
0xb1: {  	_ =	swait.ge [sflag:s26], $0x1000  }
0xb2: {  	[sflag:s26] =	ssyncset.done $0x0  }
0xb3: {  	[sflag:s26] =	ssyncadd.s32 $0xFFFFF000  }
0xb4: {  	[hbm4b:s12+s3] =	stream.linear.scatter [tilespmem:s21], [sflag:$0x4], $0x1000, $0x38;
	[tilespmem:$0x3880] =	vst v63  }
0xb5: {  	_ =	swait.ge [sflag:s18], $0x1000  }
0xb6: {  	[sflag:s18] =	ssyncset.done $0x0  }
0xb7: {  	[sflag:s18] =	ssyncadd.s32 $0xFFFFF000  }
0xb8: {  	v3 =	vld [tilespmem:$0x580];
	_ =	sdelay $0x4  }
0xb9: {  	v62 =	vshll.u32 v3, $0x1  }
0xba: {  	v3 =	vand.u32 $0x7, v3;
	v4 =	vand.u32 $0xFFFFFFF0, v62  }
0xbb: {  	v3 =	vor.u32 v3, v4  }
0xbc: {  	v4 =	vperm.xlane v3, v0;
	_ =	sdelay $0x1  }
0xbd: {  	v3 =	vperm.xlane v3, v2;
	v4 =	vadd.s32 v1, v4;
	_ =	sdelay $0x1  }
0xbe: {  	v3 =	vadd.s32 v1, v3;
	_ =	sdelay $0x2  }
0xbf: {  	[tilespmem:s21], [sflag:$0x2] =	stream.indirect_vreg.gather [hbm4b:s2+s3], $0x80, v4, vm0, $0xb8;
	[tilespmem:$0x3880] =	vst v63  }
0xc0: {  	_ = 	snop  }
0xc1: {  	[tilespmem:s22], [sflag:$0x2] =	stream.indirect_vreg.gather [hbm4b:s2+s3], $0x80, v3, vm0, $0xb8;
	[tilespmem:$0x3880] =	vst v63  }
0xc2: {  	_ =	swait.ge [sflag:s28], $0x1000  }
0xc3: {  	[sflag:s28] =	ssyncset.done $0x0  }
0xc4: {  	[sflag:s28] =	ssyncadd.s32 $0xFFFFF000  }
0xc5: {  	[hbm4b:s13+s3] =	stream.linear.scatter [tilespmem:s23], [sflag:$0x4], $0x1000, $0x38;
	[tilespmem:$0x3880] =	vst v63  }
0xc6: {  	_ =	swait.ge [sflag:s18], $0x1000  }
0xc7: {  	[sflag:s18] =	ssyncset.done $0x0  }
0xc8: {  	[sflag:s18] =	ssyncadd.s32 $0xFFFFF000  }
0xc9: {  	v3 =	vld [tilespmem:$0x600];
	_ =	sdelay $0x4  }
0xca: {  	v63 =	vshll.u32 v3, $0x1  }
0xcb: {  	v3 =	vand.u32 $0x7, v3;
	v4 =	vand.u32 $0xFFFFFFF0, v63  }
0xcc: {  	v3 =	vor.u32 v3, v4  }
0xcd: {  	v4 =	vperm.xlane v3, v0;
	_ =	sdelay $0x1  }
0xce: {  	v3 =	vperm.xlane v3, v2;
	v4 =	vadd.s32 v1, v4;
	_ =	sdelay $0x1  }
0xcf: {  	v3 =	vadd.s32 v1, v3;
	_ =	sdelay $0x2  }
0xd0: {  	[tilespmem:s23], [sflag:$0x3] =	stream.indirect_vreg.gather [hbm4b:s2+s3], $0x80, v4, vm0, $0xb8;
	[tilespmem:$0x3880] =	vst v63  }
0xd1: {  	_ = 	snop  }
0xd2: {  	[tilespmem:s24], [sflag:$0x3] =	stream.indirect_vreg.gather [hbm4b:s2+s3], $0x80, v3, vm0, $0xb8;
	[tilespmem:$0x3880] =	vst v63  }
0xd3: {  	_ =	swait.ge [sflag:s25], $0x1000  }
0xd4: {  	[sflag:s25] =	ssyncset.done $0x0  }
0xd5: {  	[sflag:s25] =	ssyncadd.s32 $0xFFFFF000  }
0xd6: {  	[hbm4b:s14+s3] =	stream.linear.scatter [tilespmem:s19], [sflag:$0x4], $0x1000, $0x38;
	[tilespmem:$0x3880] =	vst v63  }
0xd7: {  	_ =	swait.ge [sflag:s18], $0x1000  }
0xd8: {  	[sflag:s18] =	ssyncset.done $0x0  }
0xd9: {  	[sflag:s18] =	ssyncadd.s32 $0xFFFFF000  }
0xda: {  	_ =	swait.ge [sflag:s26], $0x1000  }
0xdb: {  	[sflag:s26] =	ssyncset.done $0x0  }
0xdc: {  	[sflag:s26] =	ssyncadd.s32 $0xFFFFF000  }
0xdd: {  	[hbm4b:s15+s3] =	stream.linear.scatter [tilespmem:s21], [sflag:$0x4], $0x1000, $0x38;
	[tilespmem:$0x3880] =	vst v63  }
0xde: {  	_ =	swait.ge [sflag:s18], $0x1000  }
0xdf: {  	[sflag:s18] =	ssyncset.done $0x0  }
0xe0: {  	[sflag:s18] =	ssyncadd.s32 $0xFFFFF000  }
0xe1: {  	_ =	swait.ge [sflag:s28], $0x1000  }
0xe2: {  	p0 =	sne.s32 s17, $0x1;
	[sflag:s28] =	ssyncset.done $0x0  }
.Ltmp0:
0xe3: {  	[sflag:s28] =	ssyncadd.s32 $0xFFFFF000;
	(pc) =	sbr.rel @p0 .LBB2_1-.Ltmp0, $4  }
0xe4: {  	[hbm4b:s16+s3] =	stream.linear.scatter [tilespmem:s23], [sflag:$0x4], $0x1000, $0x38;
	[tilespmem:$0x3880] =	vst v63  }
0xe5: {  	_ =	swait.ge [sflag:s18], $0x1000  }
0xe6: {  	[sflag:s18] =	ssyncset.done $0x0  }
0xe7: {  	s17 =	sadd.s32 $0xFFFFFFFF, s17;
	[sflag:s18] =	ssyncadd.s32 $0xFFFFF000  }
0xe8: {  	_ =	sfence.sel $0x180000  }
0xe9: {  	[bflag:$0x0] =	sbarrier.arrive $0xFFFF  }
0xea: {  	p0 =	sne.s32 s1, $0x0;
	_ =	strace $0x90000047  }
0xeb: {  	s0 =	sadd.s32 @!p0 $0x100000, s0;
	[bflag:$0x2] =	sbarrier.arrive $0xFFFF  }
0xec: {  	[sflag:s0] =	ssyncadd.tile.s32 @!p0 $0x1;
	_ =	shalt  }
.Lfunc_end2:
_tile_overlayer_lowered:
.L_overlay_start_2:
0xed: {  	(tag) =	ssettag $0x2  }
0xee: {  	s0 =	rddreg [dreg:$0x0];
	s2 =	stileid.u32  }
0xef: {  	s1 =	rddreg [dreg:$0x1];
	p0 =	sne.s32 s2, $0x0  }
0xf0: {  	s3 =	rddreg [dreg:$0x2];
	[bflag:$0x3] =	sbarrier.arrive $0xFFFF;
	s2 =	simm.s32 @!p0 $0x1C04  }
0xf1: {  	[timem:s3], [sflag:s2] =	dma.local @!p0 [hbm:s0], s1  }
0xf2: {  	s0 =	simm.s32 @!p0 $0x4  }
0xf3: {  	_ =	swait.ge @!p0 [sflag:s0], s1  }
0xf4: {  	s1 =	ssub.s32 @!p0 $0x0, s1;
	[sflag:s0] =	ssyncset.done @!p0 $0x0  }
0xf5: {  	[sflag:s0] =	ssyncadd.s32 @!p0 s1  }
0xf6: {  	[bflag:$0x3] =	sbarrier.arrive $0xFFFF  }
0xf7: {  	_ =	shalt  }

</sc_bundles>
